<compile_context>
chip_gen: v7x
topology: tpu7x:2x2x1
jax: 0.10.2.dev20260603
libtpu: 0.0.44.dev20260713+nightly
codegen_flags: <defaults>
</compile_context>

<pallas_src>
import functools

import jax
import jax.numpy as jnp
from jax import lax
from jax.experimental import pallas as pl
from jax.experimental.pallas import tpu as pltpu
from jax.experimental.pallas import tpu_sc as plsc

E = 20000
K = 8
D = 512

NC = 2
NS = 16
NW = NC * NS
G = 8
GK = G * K
NGT = E // G
NT = 80
LANES = 16


def _sc_gather_sum(x, nbr_flat):
    mesh = plsc.VectorSubcoreMesh(core_axis_name="c", subcore_axis_name="s")

    @functools.partial(
        pl.kernel,
        out_type=jax.ShapeDtypeStruct((E, D), jnp.float32),
        mesh=mesh,
        scratch_types=[
            pltpu.VMEM((2, GK), jnp.int32),
            pltpu.VMEM((2, GK, D), jnp.float32),
            pltpu.VMEM((2, G, D), jnp.float32),
            pltpu.SemaphoreType.DMA,
            pltpu.SemaphoreType.DMA,
            pltpu.SemaphoreType.DMA,
            pltpu.SemaphoreType.DMA,
            pltpu.SemaphoreType.DMA,
            pltpu.SemaphoreType.DMA,
        ],
    )
    def sc_fn(x_hbm, idx_hbm, out_hbm, idx_v, rows_v, out_v,
              si0, si1, sr0, sr1, so0, so1):
        wid = lax.axis_index("s") * NC + lax.axis_index("c")
        s_idx = (si0, si1)
        s_rows = (sr0, sr1)
        s_out = (so0, so1)

        def gof(n):
            return jnp.minimum(wid + n * NW, NGT - 1)

        def idx_dma(n, p):
            return pltpu.make_async_copy(
                idx_hbm.at[pl.ds(gof(n) * GK, GK)], idx_v.at[p], s_idx[p])

        def rows_dma(p):
            return pltpu.make_async_copy(
                x_hbm.at[idx_v.at[p]], rows_v.at[p], s_rows[p])

        def out_dma(n, p):
            return pltpu.make_async_copy(
                out_v.at[p], out_hbm.at[pl.ds(gof(n) * G, G)], s_out[p])

        def tree_sum(vals):
            while len(vals) > 1:
                nxt = [vals[k] + vals[k + 1]
                       for k in range(0, len(vals) - 1, 2)]
                if len(vals) % 2:
                    nxt.append(vals[-1])
                vals = nxt
            return vals[0]

        def compute(p):
            def pos_body(q, c):
                d = pl.ds(pl.multiple_of(q * LANES, LANES), LANES)
                for i in range(G):
                    out_v[p, i, d] = tree_sum(
                        [rows_v[p, i * K + j, d] for j in range(K)])
                return c
            lax.fori_loop(0, D // LANES, pos_body, 0)

        idx_dma(0, 0).start()
        idx_dma(1, 1).start()
        idx_dma(0, 0).wait()
        rows_dma(0).start()

        def pair(m, carry):
            for p in (0, 1):
                n = 2 * m + p
                if p == 0:
                    idx_dma(n + 1, 1).wait()
                    rows_dma(1).start()
                else:
                    @pl.when(m < NT // 2 - 1)
                    def _():
                        idx_dma(n + 1, 0).wait()
                        rows_dma(0).start()
                rows_dma(p).wait()
                @pl.when(m < NT // 2 - 1)
                def _():
                    idx_dma(n + 2, p).start()
                @pl.when(m >= 1)
                def _():
                    out_dma(n - 2, p).wait()
                compute(p)
                out_dma(n, p).start()
            return carry

        lax.fori_loop(0, NT // 2, pair, 0)
        out_dma(NT - 2, 0).wait()
        out_dma(NT - 1, 1).wait()

    return sc_fn(x, nbr_flat)


def _mm_body(x_ref, n_ref, w_ref, b_ref, o_ref):
    s = x_ref[...] + n_ref[...]
    acc = lax.dot_general(
        s, w_ref[...], (((1,), (1,)), ((), ())),
        preferred_element_type=jnp.float32,
    )
    o_ref[...] = acc + (K + 1.0) * b_ref[...]


def _tc_matmul(x, n, w, b):
    BM = 2000
    return pl.pallas_call(
        _mm_body,
        grid=(E // BM,),
        in_specs=[
            pl.BlockSpec((BM, D), lambda i: (i, 0)),
            pl.BlockSpec((BM, D), lambda i: (i, 0)),
            pl.BlockSpec((D, D), lambda i: (0, 0)),
            pl.BlockSpec((1, D), lambda i: (0, 0)),
        ],
        out_specs=pl.BlockSpec((BM, D), lambda i: (i, 0)),
        out_shape=jax.ShapeDtypeStruct((E, D), jnp.float32),
    )(x, n, w, b.reshape(1, D))


def kernel(edge_feats, neighbors, W, b):
    nbr_flat = neighbors.astype(jnp.int32).reshape(E * K)
    n_sum = _sc_gather_sum(edge_feats, nbr_flat)
    return _tc_matmul(edge_feats, n_sum, W, b)

# --- scband reference (transcript-rebuilt; emitter-appended) ---
"""Pipeline reference for scband-aggedge-graph-26766236188677 (READ-ONLY COPY).

The authoritative reference and input builder live on the scoring server;
editing this copy changes nothing except your own understanding.
"""

import jax, jax.numpy as jnp
import numpy as np

E = 20000
K = 8
D_IN = 512
D_HID = 512

def setup_inputs(seed: int = 0) -> dict:
    key = jax.random.key(seed)
    k1, k2, k3, k4 = jax.random.split(key, 4)
    edge_feats = jax.random.normal(k1, (E, D_IN), dtype=jnp.float32)
    neighbors = jax.random.randint(k2, (E, K), 0, E, dtype=jnp.int64)
    # Linear layer params (torch nn.Linear: y = x @ W.T + b)
    bound = 1.0 / np.sqrt(D_IN)
    W = jax.random.uniform(k3, (D_HID, D_IN), minval=-bound, maxval=bound, dtype=jnp.float32)
    b = jax.random.uniform(k4, (D_HID,), minval=-bound, maxval=bound, dtype=jnp.float32)
    return {"edge_feats": edge_feats, "neighbors": neighbors, "W": W, "b": b}

def reference(edge_feats, neighbors, W, b):
    # edge_linear
    t = edge_feats @ W.T + b  # [E, D_HID]
    # for each edge: sum of transformed features of its neighbor edges
    gathered = jnp.take(t, neighbors, axis=0)  # [E, K, D_HID]
    sum_neighs = jnp.sum(gathered, axis=1)  # [E, D_HID]
    agg_feat = t + sum_neighs
    return agg_feat

if __name__ == "__main__":
    import jax
    _d = setup_inputs()
    print(jax.jit(kernel)(*tuple(_d.values())))

</pallas_src>

<mosaic_0001>
#map = affine_map<(d0, d1) -> (0, 0)>
#map1 = affine_map<(d0, d1) -> (0)>
module attributes {stable_mosaic.version = 14 : i64} {
  func.func @sc_fn(%arg0: i32, %arg1: i32, %arg2: memref<20000x512xf32, #tpu.memory_space<hbm>>, %arg3: memref<160000xi32, #tpu.memory_space<hbm>>, %arg4: memref<20000x512xf32, #tpu.memory_space<hbm>>, %arg5: memref<2x64xi32, #tpu.memory_space<vmem>>, %arg6: memref<2x64x512xf32, #tpu.memory_space<vmem>>, %arg7: memref<2x8x512xf32, #tpu.memory_space<vmem>>, %arg8: memref<!tpu.dma_semaphore, #tpu.memory_space<semaphore_mem>>, %arg9: memref<!tpu.dma_semaphore, #tpu.memory_space<semaphore_mem>>, %arg10: memref<!tpu.dma_semaphore, #tpu.memory_space<semaphore_mem>>, %arg11: memref<!tpu.dma_semaphore, #tpu.memory_space<semaphore_mem>>, %arg12: memref<!tpu.dma_semaphore, #tpu.memory_space<semaphore_mem>>, %arg13: memref<!tpu.dma_semaphore, #tpu.memory_space<semaphore_mem>>) attributes {dimension_semantics = [#tpu.dimension_semantics<core_parallel>, #tpu.dimension_semantics<subcore_parallel>], iteration_bounds = array<i64: 2, 16>, scalar_prefetch = 0 : i64, scratch_operands = 9 : i64, tpu.core_type = #tpu.core_type<sc_vector_subcore>, window_params = [{transform_indices = #map}, {transform_indices = #map1}, {transform_indices = #map}]} {
    %mul3A = arith.constant 2 : i32
    %mul3A_0 = arith.muli %arg1, %mul3A : i32
    %add3A = arith.addi %mul3A_0, %arg0 : i32
    %add3A_1 = arith.constant 0 : i32
    %add3A_2 = arith.addi %add3A, %add3A_1 : i32
    %min3A = arith.constant 2499 : i32
    %min3A_3 = arith.minsi %add3A_2, %min3A : i32
    %mul3A_4 = arith.constant 64 : i32
    %mul3A_5 = arith.muli %min3A_3, %mul3A_4 : i32
    %dma_start3A = arith.constant 0 : i32
    %dma_start3A_6 = arith.constant 0 : i32
    %dma_start3A_7 = tpu.memref_slice %arg5[%dma_start3A, %dma_start3A_6] : memref<2x64xi32, #tpu.memory_space<vmem>> -> memref<1x64xi32, #tpu.memory_space<vmem>>
    %dma_start3A_8 = tpu.memref_squeeze %dma_start3A_7 : memref<1x64xi32, #tpu.memory_space<vmem>> -> memref<64xi32, #tpu.memory_space<vmem>>
    %dma_start3A_9 = tpu.memref_slice %arg3[%mul3A_5] : memref<160000xi32, #tpu.memory_space<hbm>> -> memref<64xi32, #tpu.memory_space<hbm>>
    %dma_start3A_10 = arith.constant 0 : i32
    %dma_start3A_11 = tpu.memref_slice %arg5[%dma_start3A, %dma_start3A_10] : memref<2x64xi32, #tpu.memory_space<vmem>> -> memref<1x64xi32, #tpu.memory_space<vmem>>
    %dma_start3A_12 = tpu.memref_squeeze %dma_start3A_11 : memref<1x64xi32, #tpu.memory_space<vmem>> -> memref<64xi32, #tpu.memory_space<vmem>>
    %dma_start3A_13 = tpu.memref_slice %arg3[%mul3A_5] : memref<160000xi32, #tpu.memory_space<hbm>> -> memref<64xi32, #tpu.memory_space<hbm>>
    tpu.enqueue_dma source(%dma_start3A_13 : memref<64xi32, #tpu.memory_space<hbm>>) target(%dma_start3A_12 : memref<64xi32, #tpu.memory_space<vmem>>) target_semaphore(%arg8 : memref<!tpu.dma_semaphore, #tpu.memory_space<semaphore_mem>>)
    %add3A_14 = arith.constant 32 : i32
    %add3A_15 = arith.addi %add3A, %add3A_14 : i32
    %min3A_16 = arith.constant 2499 : i32
    %min3A_17 = arith.minsi %add3A_15, %min3A_16 : i32
    %mul3A_18 = arith.constant 64 : i32
    %mul3A_19 = arith.muli %min3A_17, %mul3A_18 : i32
    %dma_start3A_20 = arith.constant 1 : i32
    %dma_start3A_21 = arith.constant 0 : i32
    %dma_start3A_22 = tpu.memref_slice %arg5[%dma_start3A_20, %dma_start3A_21] : memref<2x64xi32, #tpu.memory_space<vmem>> -> memref<1x64xi32, #tpu.memory_space<vmem>>
    %dma_start3A_23 = tpu.memref_squeeze %dma_start3A_22 : memref<1x64xi32, #tpu.memory_space<vmem>> -> memref<64xi32, #tpu.memory_space<vmem>>
    %dma_start3A_24 = tpu.memref_slice %arg3[%mul3A_19] : memref<160000xi32, #tpu.memory_space<hbm>> -> memref<64xi32, #tpu.memory_space<hbm>>
    %dma_start3A_25 = arith.constant 0 : i32
    %dma_start3A_26 = tpu.memref_slice %arg5[%dma_start3A_20, %dma_start3A_25] : memref<2x64xi32, #tpu.memory_space<vmem>> -> memref<1x64xi32, #tpu.memory_space<vmem>>
    %dma_start3A_27 = tpu.memref_squeeze %dma_start3A_26 : memref<1x64xi32, #tpu.memory_space<vmem>> -> memref<64xi32, #tpu.memory_space<vmem>>
    %dma_start3A_28 = tpu.memref_slice %arg3[%mul3A_19] : memref<160000xi32, #tpu.memory_space<hbm>> -> memref<64xi32, #tpu.memory_space<hbm>>
    tpu.enqueue_dma source(%dma_start3A_28 : memref<64xi32, #tpu.memory_space<hbm>>) target(%dma_start3A_27 : memref<64xi32, #tpu.memory_space<vmem>>) target_semaphore(%arg9 : memref<!tpu.dma_semaphore, #tpu.memory_space<semaphore_mem>>)
    %add3A_29 = arith.constant 0 : i32
    %add3A_30 = arith.addi %add3A, %add3A_29 : i32
    %min3A_31 = arith.constant 2499 : i32
    %min3A_32 = arith.minsi %add3A_30, %min3A_31 : i32
    %mul3A_33 = arith.constant 64 : i32
    %mul3A_34 = arith.muli %min3A_32, %mul3A_33 : i32
    %dma_wait3A = arith.constant 0 : i32
    %dma_wait3A_35 = arith.constant 0 : i32
    %dma_wait3A_36 = tpu.memref_slice %arg5[%dma_wait3A, %dma_wait3A_35] : memref<2x64xi32, #tpu.memory_space<vmem>> -> memref<1x64xi32, #tpu.memory_space<vmem>>
    %dma_wait3A_37 = tpu.memref_squeeze %dma_wait3A_36 : memref<1x64xi32, #tpu.memory_space<vmem>> -> memref<64xi32, #tpu.memory_space<vmem>>
    %dma_wait3A_38 = tpu.memref_slice %arg3[%mul3A_34] : memref<160000xi32, #tpu.memory_space<hbm>> -> memref<64xi32, #tpu.memory_space<hbm>>
    %dma_wait3A_39 = arith.constant 0 : i32
    %dma_wait3A_40 = tpu.memref_slice %arg5[%dma_wait3A, %dma_wait3A_39] : memref<2x64xi32, #tpu.memory_space<vmem>> -> memref<1x64xi32, #tpu.memory_space<vmem>>
    %dma_wait3A_41 = tpu.memref_squeeze %dma_wait3A_40 : memref<1x64xi32, #tpu.memory_space<vmem>> -> memref<64xi32, #tpu.memory_space<vmem>>
    %dma_wait3A_42 = tpu.memref_slice %arg3[%mul3A_34] : memref<160000xi32, #tpu.memory_space<hbm>> -> memref<64xi32, #tpu.memory_space<hbm>>
    tpu.wait_dma2 semaphore(%arg8 : memref<!tpu.dma_semaphore, #tpu.memory_space<semaphore_mem>>) src(%dma_wait3A_42 : memref<64xi32, #tpu.memory_space<hbm>>) dst(%dma_wait3A_41 : memref<64xi32, #tpu.memory_space<vmem>>)
    %dma_start3A_43 = arith.constant 0 : i32
    %dma_start3A_44 = arith.constant 0 : i32
    %dma_start3A_45 = arith.constant 0 : i32
    %dma_start3A_46 = arith.constant 0 : i32
    %dma_start3A_47 = tpu.memref_slice %arg6[%dma_start3A_44, %dma_start3A_45, %dma_start3A_46] : memref<2x64x512xf32, #tpu.memory_space<vmem>> -> memref<1x64x512xf32, #tpu.memory_space<vmem>>
    %dma_start3A_48 = tpu.memref_squeeze %dma_start3A_47 : memref<1x64x512xf32, #tpu.memory_space<vmem>> -> memref<64x512xf32, #tpu.memory_space<vmem>>
    %dma_start3A_49 = arith.constant 0 : i32
    %dma_start3A_50 = tpu.memref_slice %arg5[%dma_start3A_43, %dma_start3A_49] : memref<2x64xi32, #tpu.memory_space<vmem>> -> memref<1x64xi32, #tpu.memory_space<vmem>>
    %dma_start3A_51 = tpu.memref_squeeze %dma_start3A_50 : memref<1x64xi32, #tpu.memory_space<vmem>> -> memref<64xi32, #tpu.memory_space<vmem>>
    %dma_start3A_52 = arith.constant 0 : i32
    %dma_start3A_53 = arith.constant 0 : i32
    %dma_start3A_54 = tpu.memref_slice %arg2[%dma_start3A_52, %dma_start3A_53] : memref<20000x512xf32, #tpu.memory_space<hbm>> -> memref<20000x512xf32, #tpu.memory_space<hbm>>
    tpu.enqueue_indirect_dma source(%dma_start3A_54 : memref<20000x512xf32, #tpu.memory_space<hbm>>) target(%dma_start3A_48 : memref<64x512xf32, #tpu.memory_space<vmem>>) offsets(%dma_start3A_51 : memref<64xi32, #tpu.memory_space<vmem>>) semaphore(%arg10 : memref<!tpu.dma_semaphore, #tpu.memory_space<semaphore_mem>>)
    %scan3A = arith.constant 0 : i32
    %scan3A_55 = arith.constant 0 : i32
    %scan3A_56 = arith.constant 40 : i32
    %scan3A_57 = arith.addi %scan3A_55, %scan3A_56 : i32
    %scan3A_58 = arith.constant 1 : i32
    scf.for %scan3A_98 = %scan3A_55 to %scan3A_57 step %scan3A_58  : i32 {
      %mul3A_99 = arith.constant 2 : i32
      %mul3A_100 = arith.muli %mul3A_99, %scan3A_98 : i32
      %add3A_101 = arith.constant 0 : i32
      %add3A_102 = arith.addi %mul3A_100, %add3A_101 : i32
      %add3A_103 = arith.constant 1 : i32
      %add3A_104 = arith.addi %add3A_102, %add3A_103 : i32
      %mul3A_105 = arith.constant 32 : i32
      %mul3A_106 = arith.muli %add3A_104, %mul3A_105 : i32
      %add3A_107 = arith.addi %add3A, %mul3A_106 : i32
      %min3A_108 = arith.constant 2499 : i32
      %min3A_109 = arith.minsi %add3A_107, %min3A_108 : i32
      %mul3A_110 = arith.constant 64 : i32
      %mul3A_111 = arith.muli %min3A_109, %mul3A_110 : i32
      %dma_wait3A_112 = arith.constant 1 : i32
      %dma_wait3A_113 = arith.constant 0 : i32
      %dma_wait3A_114 = tpu.memref_slice %arg5[%dma_wait3A_112, %dma_wait3A_113] : memref<2x64xi32, #tpu.memory_space<vmem>> -> memref<1x64xi32, #tpu.memory_space<vmem>>
      %dma_wait3A_115 = tpu.memref_squeeze %dma_wait3A_114 : memref<1x64xi32, #tpu.memory_space<vmem>> -> memref<64xi32, #tpu.memory_space<vmem>>
      %dma_wait3A_116 = tpu.memref_slice %arg3[%mul3A_111] : memref<160000xi32, #tpu.memory_space<hbm>> -> memref<64xi32, #tpu.memory_space<hbm>>
      %dma_wait3A_117 = arith.constant 0 : i32
      %dma_wait3A_118 = tpu.memref_slice %arg5[%dma_wait3A_112, %dma_wait3A_117] : memref<2x64xi32, #tpu.memory_space<vmem>> -> memref<1x64xi32, #tpu.memory_space<vmem>>
      %dma_wait3A_119 = tpu.memref_squeeze %dma_wait3A_118 : memref<1x64xi32, #tpu.memory_space<vmem>> -> memref<64xi32, #tpu.memory_space<vmem>>
      %dma_wait3A_120 = tpu.memref_slice %arg3[%mul3A_111] : memref<160000xi32, #tpu.memory_space<hbm>> -> memref<64xi32, #tpu.memory_space<hbm>>
      tpu.wait_dma2 semaphore(%arg9 : memref<!tpu.dma_semaphore, #tpu.memory_space<semaphore_mem>>) src(%dma_wait3A_120 : memref<64xi32, #tpu.memory_space<hbm>>) dst(%dma_wait3A_119 : memref<64xi32, #tpu.memory_space<vmem>>)
      %dma_start3A_121 = arith.constant 1 : i32
      %dma_start3A_122 = arith.constant 1 : i32
      %dma_start3A_123 = arith.constant 0 : i32
      %dma_start3A_124 = arith.constant 0 : i32
      %dma_start3A_125 = tpu.memref_slice %arg6[%dma_start3A_122, %dma_start3A_123, %dma_start3A_124] : memref<2x64x512xf32, #tpu.memory_space<vmem>> -> memref<1x64x512xf32, #tpu.memory_space<vmem>>
      %dma_start3A_126 = tpu.memref_squeeze %dma_start3A_125 : memref<1x64x512xf32, #tpu.memory_space<vmem>> -> memref<64x512xf32, #tpu.memory_space<vmem>>
      %dma_start3A_127 = arith.constant 0 : i32
      %dma_start3A_128 = tpu.memref_slice %arg5[%dma_start3A_121, %dma_start3A_127] : memref<2x64xi32, #tpu.memory_space<vmem>> -> memref<1x64xi32, #tpu.memory_space<vmem>>
      %dma_start3A_129 = tpu.memref_squeeze %dma_start3A_128 : memref<1x64xi32, #tpu.memory_space<vmem>> -> memref<64xi32, #tpu.memory_space<vmem>>
      %dma_start3A_130 = arith.constant 0 : i32
      %dma_start3A_131 = arith.constant 0 : i32
      %dma_start3A_132 = tpu.memref_slice %arg2[%dma_start3A_130, %dma_start3A_131] : memref<20000x512xf32, #tpu.memory_space<hbm>> -> memref<20000x512xf32, #tpu.memory_space<hbm>>
      tpu.enqueue_indirect_dma source(%dma_start3A_132 : memref<20000x512xf32, #tpu.memory_space<hbm>>) target(%dma_start3A_126 : memref<64x512xf32, #tpu.memory_space<vmem>>) offsets(%dma_start3A_129 : memref<64xi32, #tpu.memory_space<vmem>>) semaphore(%arg11 : memref<!tpu.dma_semaphore, #tpu.memory_space<semaphore_mem>>)
      %dma_wait3A_133 = arith.constant 0 : i32
      %dma_wait3A_134 = arith.constant 0 : i32
      %dma_wait3A_135 = arith.constant 0 : i32
      %dma_wait3A_136 = arith.constant 0 : i32
      %dma_wait3A_137 = tpu.memref_slice %arg6[%dma_wait3A_134, %dma_wait3A_135, %dma_wait3A_136] : memref<2x64x512xf32, #tpu.memory_space<vmem>> -> memref<1x64x512xf32, #tpu.memory_space<vmem>>
      %dma_wait3A_138 = tpu.memref_squeeze %dma_wait3A_137 : memref<1x64x512xf32, #tpu.memory_space<vmem>> -> memref<64x512xf32, #tpu.memory_space<vmem>>
      %dma_wait3A_139 = arith.constant 0 : i32
      %dma_wait3A_140 = tpu.memref_slice %arg5[%dma_wait3A_133, %dma_wait3A_139] : memref<2x64xi32, #tpu.memory_space<vmem>> -> memref<1x64xi32, #tpu.memory_space<vmem>>
      %dma_wait3A_141 = tpu.memref_squeeze %dma_wait3A_140 : memref<1x64xi32, #tpu.memory_space<vmem>> -> memref<64xi32, #tpu.memory_space<vmem>>
      %dma_wait3A_142 = arith.constant 0 : i32
      %dma_wait3A_143 = arith.constant 0 : i32
      %dma_wait3A_144 = tpu.memref_slice %arg2[%dma_wait3A_142, %dma_wait3A_143] : memref<20000x512xf32, #tpu.memory_space<hbm>> -> memref<20000x512xf32, #tpu.memory_space<hbm>>
      tpu.wait_indirect_dma semaphore(%arg10 : memref<!tpu.dma_semaphore, #tpu.memory_space<semaphore_mem>>) src(%dma_wait3A_144 : memref<20000x512xf32, #tpu.memory_space<hbm>>) dst(%dma_wait3A_138 : memref<64x512xf32, #tpu.memory_space<vmem>>)
      %lt3A = arith.constant 39 : i32
      %lt3A_145 = arith.cmpi slt, %scan3A_98, %lt3A : i32
      %convert_element_type3A = arith.extui %lt3A_145 : i1 to i32
      %cond3A = arith.constant 0 : i32
      %cond3A_146 = arith.cmpi ne, %convert_element_type3A, %cond3A : i32
      scf.if %cond3A_146 {
        %add3A_234 = arith.constant 2 : i32
        %add3A_235 = arith.addi %add3A_102, %add3A_234 : i32
        %mul3A_236 = arith.constant 32 : i32
        %mul3A_237 = arith.muli %add3A_235, %mul3A_236 : i32
        %add3A_238 = arith.addi %add3A, %mul3A_237 : i32
        %min3A_239 = arith.constant 2499 : i32
        %min3A_240 = arith.minsi %add3A_238, %min3A_239 : i32
        %mul3A_241 = arith.constant 64 : i32
        %mul3A_242 = arith.muli %min3A_240, %mul3A_241 : i32
        %dma_start3A_243 = arith.constant 0 : i32
        %dma_start3A_244 = arith.constant 0 : i32
        %dma_start3A_245 = tpu.memref_slice %arg5[%dma_start3A_243, %dma_start3A_244] : memref<2x64xi32, #tpu.memory_space<vmem>> -> memref<1x64xi32, #tpu.memory_space<vmem>>
        %dma_start3A_246 = tpu.memref_squeeze %dma_start3A_245 : memref<1x64xi32, #tpu.memory_space<vmem>> -> memref<64xi32, #tpu.memory_space<vmem>>
        %dma_start3A_247 = tpu.memref_slice %arg3[%mul3A_242] : memref<160000xi32, #tpu.memory_space<hbm>> -> memref<64xi32, #tpu.memory_space<hbm>>
        %dma_start3A_248 = arith.constant 0 : i32
        %dma_start3A_249 = tpu.memref_slice %arg5[%dma_start3A_243, %dma_start3A_248] : memref<2x64xi32, #tpu.memory_space<vmem>> -> memref<1x64xi32, #tpu.memory_space<vmem>>
        %dma_start3A_250 = tpu.memref_squeeze %dma_start3A_249 : memref<1x64xi32, #tpu.memory_space<vmem>> -> memref<64xi32, #tpu.memory_space<vmem>>
        %dma_start3A_251 = tpu.memref_slice %arg3[%mul3A_242] : memref<160000xi32, #tpu.memory_space<hbm>> -> memref<64xi32, #tpu.memory_space<hbm>>
        tpu.enqueue_dma source(%dma_start3A_251 : memref<64xi32, #tpu.memory_space<hbm>>) target(%dma_start3A_250 : memref<64xi32, #tpu.memory_space<vmem>>) target_semaphore(%arg8 : memref<!tpu.dma_semaphore, #tpu.memory_space<semaphore_mem>>)
      } else {
      }
      %ge3A = arith.constant 1 : i32
      %ge3A_147 = arith.cmpi sge, %scan3A_98, %ge3A : i32
      %convert_element_type3A_148 = arith.extui %ge3A_147 : i1 to i32
      %cond3A_149 = arith.constant 0 : i32
      %cond3A_150 = arith.cmpi ne, %convert_element_type3A_148, %cond3A_149 : i32
      scf.if %cond3A_150 {
        %sub3A = arith.constant 2 : i32
        %sub3A_234 = arith.subi %add3A_102, %sub3A : i32
        %mul3A_235 = arith.constant 32 : i32
        %mul3A_236 = arith.muli %sub3A_234, %mul3A_235 : i32
        %add3A_237 = arith.addi %add3A, %mul3A_236 : i32
        %min3A_238 = arith.constant 2499 : i32
        %min3A_239 = arith.minsi %add3A_237, %min3A_238 : i32
        %mul3A_240 = arith.constant 8 : i32
        %mul3A_241 = arith.muli %min3A_239, %mul3A_240 : i32
        %dma_wait3A_242 = arith.constant 0 : i32
        %dma_wait3A_243 = arith.constant 0 : i32
        %dma_wait3A_244 = arith.constant 0 : i32
        %dma_wait3A_245 = tpu.memref_slice %arg7[%dma_wait3A_242, %dma_wait3A_243, %dma_wait3A_244] : memref<2x8x512xf32, #tpu.memory_space<vmem>> -> memref<1x8x512xf32, #tpu.memory_space<vmem>>
        %dma_wait3A_246 = tpu.memref_squeeze %dma_wait3A_245 : memref<1x8x512xf32, #tpu.memory_space<vmem>> -> memref<8x512xf32, #tpu.memory_space<vmem>>
        %dma_wait3A_247 = arith.constant 0 : i32
        %dma_wait3A_248 = tpu.memref_slice %arg4[%mul3A_241, %dma_wait3A_247] : memref<20000x512xf32, #tpu.memory_space<hbm>> -> memref<8x512xf32, #tpu.memory_space<hbm>>
        %dma_wait3A_249 = arith.constant 0 : i32
        %dma_wait3A_250 = tpu.memref_slice %arg4[%mul3A_241, %dma_wait3A_249] : memref<20000x512xf32, #tpu.memory_space<hbm>> -> memref<8x512xf32, #tpu.memory_space<hbm>>
        %dma_wait3A_251 = arith.constant 0 : i32
        %dma_wait3A_252 = arith.constant 0 : i32
        %dma_wait3A_253 = tpu.memref_slice %arg7[%dma_wait3A_242, %dma_wait3A_251, %dma_wait3A_252] : memref<2x8x512xf32, #tpu.memory_space<vmem>> -> memref<1x8x512xf32, #tpu.memory_space<vmem>>
        %dma_wait3A_254 = tpu.memref_squeeze %dma_wait3A_253 : memref<1x8x512xf32, #tpu.memory_space<vmem>> -> memref<8x512xf32, #tpu.memory_space<vmem>>
        tpu.wait_dma2 semaphore(%arg12 : memref<!tpu.dma_semaphore, #tpu.memory_space<semaphore_mem>>) src(%dma_wait3A_254 : memref<8x512xf32, #tpu.memory_space<vmem>>) dst(%dma_wait3A_250 : memref<8x512xf32, #tpu.memory_space<hbm>>)
      } else {
      }
      %scan3A_151 = arith.constant 0 : i32
      %scan3A_152 = arith.constant 0 : i32
      %scan3A_153 = arith.constant 32 : i32
      %scan3A_154 = arith.addi %scan3A_152, %scan3A_153 : i32
      %scan3A_155 = arith.constant 1 : i32
      scf.for %scan3A_234 = %scan3A_152 to %scan3A_154 step %scan3A_155  : i32 {
        %mul3A_235 = arith.constant 16 : i32
        %mul3A_236 = arith.muli %scan3A_234, %mul3A_235 : i32
        %multiple_of3A = tpu.assume_multiple %mul3A_236, 16 : i32
        %get3A = arith.constant 0 : i32
        %get3A_237 = arith.constant 0 : i32
        %get3A_238 = arith.index_cast %get3A : i32 to index
        %get3A_239 = arith.index_cast %get3A_237 : i32 to index
        %get3A_240 = arith.index_cast %multiple_of3A : i32 to index
        %get3A_241 = tpu.vector_load %arg6[%get3A_238, %get3A_239, %get3A_240] {strides = array<i32>} : memref<2x64x512xf32, #tpu.memory_space<vmem>>, vector<1x1x16xf32>,
        %get3A_242 = vector.shape_cast %get3A_241 : vector<1x1x16xf32> to vector<16xf32>
        %get3A_243 = arith.constant 0 : i32
        %get3A_244 = arith.constant 1 : i32
        %get3A_245 = arith.index_cast %get3A_243 : i32 to index
        %get3A_246 = arith.index_cast %get3A_244 : i32 to index
        %get3A_247 = arith.index_cast %multiple_of3A : i32 to index
        %get3A_248 = tpu.vector_load %arg6[%get3A_245, %get3A_246, %get3A_247] {strides = array<i32>} : memref<2x64x512xf32, #tpu.memory_space<vmem>>, vector<1x1x16xf32>,
        %get3A_249 = vector.shape_cast %get3A_248 : vector<1x1x16xf32> to vector<16xf32>
        %get3A_250 = arith.constant 0 : i32
        %get3A_251 = arith.constant 2 : i32
        %get3A_252 = arith.index_cast %get3A_250 : i32 to index
        %get3A_253 = arith.index_cast %get3A_251 : i32 to index
        %get3A_254 = arith.index_cast %multiple_of3A : i32 to index
        %get3A_255 = tpu.vector_load %arg6[%get3A_252, %get3A_253, %get3A_254] {strides = array<i32>} : memref<2x64x512xf32, #tpu.memory_space<vmem>>, vector<1x1x16xf32>,
        %get3A_256 = vector.shape_cast %get3A_255 : vector<1x1x16xf32> to vector<16xf32>
        %get3A_257 = arith.constant 0 : i32
        %get3A_258 = arith.constant 3 : i32
        %get3A_259 = arith.index_cast %get3A_257 : i32 to index
        %get3A_260 = arith.index_cast %get3A_258 : i32 to index
        %get3A_261 = arith.index_cast %multiple_of3A : i32 to index
        %get3A_262 = tpu.vector_load %arg6[%get3A_259, %get3A_260, %get3A_261] {strides = array<i32>} : memref<2x64x512xf32, #tpu.memory_space<vmem>>, vector<1x1x16xf32>,
        %get3A_263 = vector.shape_cast %get3A_262 : vector<1x1x16xf32> to vector<16xf32>
        %get3A_264 = arith.constant 0 : i32
        %get3A_265 = arith.constant 4 : i32
        %get3A_266 = arith.index_cast %get3A_264 : i32 to index
        %get3A_267 = arith.index_cast %get3A_265 : i32 to index
        %get3A_268 = arith.index_cast %multiple_of3A : i32 to index
        %get3A_269 = tpu.vector_load %arg6[%get3A_266, %get3A_267, %get3A_268] {strides = array<i32>} : memref<2x64x512xf32, #tpu.memory_space<vmem>>, vector<1x1x16xf32>,
        %get3A_270 = vector.shape_cast %get3A_269 : vector<1x1x16xf32> to vector<16xf32>
        %get3A_271 = arith.constant 0 : i32
        %get3A_272 = arith.constant 5 : i32
        %get3A_273 = arith.index_cast %get3A_271 : i32 to index
        %get3A_274 = arith.index_cast %get3A_272 : i32 to index
        %get3A_275 = arith.index_cast %multiple_of3A : i32 to index
        %get3A_276 = tpu.vector_load %arg6[%get3A_273, %get3A_274, %get3A_275] {strides = array<i32>} : memref<2x64x512xf32, #tpu.memory_space<vmem>>, vector<1x1x16xf32>,
        %get3A_277 = vector.shape_cast %get3A_276 : vector<1x1x16xf32> to vector<16xf32>
        %get3A_278 = arith.constant 0 : i32
        %get3A_279 = arith.constant 6 : i32
        %get3A_280 = arith.index_cast %get3A_278 : i32 to index
        %get3A_281 = arith.index_cast %get3A_279 : i32 to index
        %get3A_282 = arith.index_cast %multiple_of3A : i32 to index
        %get3A_283 = tpu.vector_load %arg6[%get3A_280, %get3A_281, %get3A_282] {strides = array<i32>} : memref<2x64x512xf32, #tpu.memory_space<vmem>>, vector<1x1x16xf32>,
        %get3A_284 = vector.shape_cast %get3A_283 : vector<1x1x16xf32> to vector<16xf32>
        %get3A_285 = arith.constant 0 : i32
        %get3A_286 = arith.constant 7 : i32
        %get3A_287 = arith.index_cast %get3A_285 : i32 to index
        %get3A_288 = arith.index_cast %get3A_286 : i32 to index
        %get3A_289 = arith.index_cast %multiple_of3A : i32 to index
        %get3A_290 = tpu.vector_load %arg6[%get3A_287, %get3A_288, %get3A_289] {strides = array<i32>} : memref<2x64x512xf32, #tpu.memory_space<vmem>>, vector<1x1x16xf32>,
        %get3A_291 = vector.shape_cast %get3A_290 : vector<1x1x16xf32> to vector<16xf32>
        %add3A_292 = arith.addf %get3A_242, %get3A_249 : vector<16xf32>
        %add3A_293 = arith.addf %get3A_256, %get3A_263 : vector<16xf32>
        %add3A_294 = arith.addf %get3A_270, %get3A_277 : vector<16xf32>
        %add3A_295 = arith.addf %get3A_284, %get3A_291 : vector<16xf32>
        %add3A_296 = arith.addf %add3A_292, %add3A_293 : vector<16xf32>
        %add3A_297 = arith.addf %add3A_294, %add3A_295 : vector<16xf32>
        %add3A_298 = arith.addf %add3A_296, %add3A_297 : vector<16xf32>
        %swap3A = arith.constant 0 : i32
        %swap3A_299 = arith.constant 0 : i32
        %swap3A_300 = arith.index_cast %swap3A : i32 to index
        %swap3A_301 = arith.index_cast %swap3A_299 : i32 to index
        %swap3A_302 = arith.index_cast %multiple_of3A : i32 to index
        %swap3A_303 = tpu.vector_load %arg7[%swap3A_300, %swap3A_301, %swap3A_302] {strides = array<i32>} : memref<2x8x512xf32, #tpu.memory_space<vmem>>, vector<1x1x16xf32>,
        %swap3A_304 = vector.shape_cast %swap3A_303 : vector<1x1x16xf32> to vector<16xf32>
        %swap3A_305 = vector.shape_cast %add3A_298 : vector<16xf32> to vector<1x1x16xf32>
        tpu.vector_store %arg7[%swap3A_300, %swap3A_301, %swap3A_302], %swap3A_305 {strides = array<i32>} : memref<2x8x512xf32, #tpu.memory_space<vmem>>, vector<1x1x16xf32>,
        %get3A_306 = arith.constant 0 : i32
        %get3A_307 = arith.constant 8 : i32
        %get3A_308 = arith.index_cast %get3A_306 : i32 to index
        %get3A_309 = arith.index_cast %get3A_307 : i32 to index
        %get3A_310 = arith.index_cast %multiple_of3A : i32 to index
        %get3A_311 = tpu.vector_load %arg6[%get3A_308, %get3A_309, %get3A_310] {strides = array<i32>} : memref<2x64x512xf32, #tpu.memory_space<vmem>>, vector<1x1x16xf32>,
        %get3A_312 = vector.shape_cast %get3A_311 : vector<1x1x16xf32> to vector<16xf32>
        %get3A_313 = arith.constant 0 : i32
        %get3A_314 = arith.constant 9 : i32
        %get3A_315 = arith.index_cast %get3A_313 : i32 to index
        %get3A_316 = arith.index_cast %get3A_314 : i32 to index
        %get3A_317 = arith.index_cast %multiple_of3A : i32 to index
        %get3A_318 = tpu.vector_load %arg6[%get3A_315, %get3A_316, %get3A_317] {strides = array<i32>} : memref<2x64x512xf32, #tpu.memory_space<vmem>>, vector<1x1x16xf32>,
        %get3A_319 = vector.shape_cast %get3A_318 : vector<1x1x16xf32> to vector<16xf32>
        %get3A_320 = arith.constant 0 : i32
        %get3A_321 = arith.constant 10 : i32
        %get3A_322 = arith.index_cast %get3A_320 : i32 to index
        %get3A_323 = arith.index_cast %get3A_321 : i32 to index
        %get3A_324 = arith.index_cast %multiple_of3A : i32 to index
        %get3A_325 = tpu.vector_load %arg6[%get3A_322, %get3A_323, %get3A_324] {strides = array<i32>} : memref<2x64x512xf32, #tpu.memory_space<vmem>>, vector<1x1x16xf32>,
        %get3A_326 = vector.shape_cast %get3A_325 : vector<1x1x16xf32> to vector<16xf32>
        %get3A_327 = arith.constant 0 : i32
        %get3A_328 = arith.constant 11 : i32
        %get3A_329 = arith.index_cast %get3A_327 : i32 to index
        %get3A_330 = arith.index_cast %get3A_328 : i32 to index
        %get3A_331 = arith.index_cast %multiple_of3A : i32 to index
        %get3A_332 = tpu.vector_load %arg6[%get3A_329, %get3A_330, %get3A_331] {strides = array<i32>} : memref<2x64x512xf32, #tpu.memory_space<vmem>>, vector<1x1x16xf32>,
        %get3A_333 = vector.shape_cast %get3A_332 : vector<1x1x16xf32> to vector<16xf32>
        %get3A_334 = arith.constant 0 : i32
        %get3A_335 = arith.constant 12 : i32
        %get3A_336 = arith.index_cast %get3A_334 : i32 to index
        %get3A_337 = arith.index_cast %get3A_335 : i32 to index
        %get3A_338 = arith.index_cast %multiple_of3A : i32 to index
        %get3A_339 = tpu.vector_load %arg6[%get3A_336, %get3A_337, %get3A_338] {strides = array<i32>} : memref<2x64x512xf32, #tpu.memory_space<vmem>>, vector<1x1x16xf32>,
        %get3A_340 = vector.shape_cast %get3A_339 : vector<1x1x16xf32> to vector<16xf32>
        %get3A_341 = arith.constant 0 : i32
        %get3A_342 = arith.constant 13 : i32
        %get3A_343 = arith.index_cast %get3A_341 : i32 to index
        %get3A_344 = arith.index_cast %get3A_342 : i32 to index
        %get3A_345 = arith.index_cast %multiple_of3A : i32 to index
        %get3A_346 = tpu.vector_load %arg6[%get3A_343, %get3A_344, %get3A_345] {strides = array<i32>} : memref<2x64x512xf32, #tpu.memory_space<vmem>>, vector<1x1x16xf32>,
        %get3A_347 = vector.shape_cast %get3A_346 : vector<1x1x16xf32> to vector<16xf32>
        %get3A_348 = arith.constant 0 : i32
        %get3A_349 = arith.constant 14 : i32
        %get3A_350 = arith.index_cast %get3A_348 : i32 to index
        %get3A_351 = arith.index_cast %get3A_349 : i32 to index
        %get3A_352 = arith.index_cast %multiple_of3A : i32 to index
        %get3A_353 = tpu.vector_load %arg6[%get3A_350, %get3A_351, %get3A_352] {strides = array<i32>} : memref<2x64x512xf32, #tpu.memory_space<vmem>>, vector<1x1x16xf32>,
        %get3A_354 = vector.shape_cast %get3A_353 : vector<1x1x16xf32> to vector<16xf32>
        %get3A_355 = arith.constant 0 : i32
        %get3A_356 = arith.constant 15 : i32
        %get3A_357 = arith.index_cast %get3A_355 : i32 to index
        %get3A_358 = arith.index_cast %get3A_356 : i32 to index
        %get3A_359 = arith.index_cast %multiple_of3A : i32 to index
        %get3A_360 = tpu.vector_load %arg6[%get3A_357, %get3A_358, %get3A_359] {strides = array<i32>} : memref<2x64x512xf32, #tpu.memory_space<vmem>>, vector<1x1x16xf32>,
        %get3A_361 = vector.shape_cast %get3A_360 : vector<1x1x16xf32> to vector<16xf32>
        %add3A_362 = arith.addf %get3A_312, %get3A_319 : vector<16xf32>
        %add3A_363 = arith.addf %get3A_326, %get3A_333 : vector<16xf32>
        %add3A_364 = arith.addf %get3A_340, %get3A_347 : vector<16xf32>
        %add3A_365 = arith.addf %get3A_354, %get3A_361 : vector<16xf32>
        %add3A_366 = arith.addf %add3A_362, %add3A_363 : vector<16xf32>
        %add3A_367 = arith.addf %add3A_364, %add3A_365 : vector<16xf32>
        %add3A_368 = arith.addf %add3A_366, %add3A_367 : vector<16xf32>
        %swap3A_369 = arith.constant 0 : i32
        %swap3A_370 = arith.constant 1 : i32
        %swap3A_371 = arith.index_cast %swap3A_369 : i32 to index
        %swap3A_372 = arith.index_cast %swap3A_370 : i32 to index
        %swap3A_373 = arith.index_cast %multiple_of3A : i32 to index
        %swap3A_374 = tpu.vector_load %arg7[%swap3A_371, %swap3A_372, %swap3A_373] {strides = array<i32>} : memref<2x8x512xf32, #tpu.memory_space<vmem>>, vector<1x1x16xf32>,
        %swap3A_375 = vector.shape_cast %swap3A_374 : vector<1x1x16xf32> to vector<16xf32>
        %swap3A_376 = vector.shape_cast %add3A_368 : vector<16xf32> to vector<1x1x16xf32>
        tpu.vector_store %arg7[%swap3A_371, %swap3A_372, %swap3A_373], %swap3A_376 {strides = array<i32>} : memref<2x8x512xf32, #tpu.memory_space<vmem>>, vector<1x1x16xf32>,
        %get3A_377 = arith.constant 0 : i32
        %get3A_378 = arith.constant 16 : i32
        %get3A_379 = arith.index_cast %get3A_377 : i32 to index
        %get3A_380 = arith.index_cast %get3A_378 : i32 to index
        %get3A_381 = arith.index_cast %multiple_of3A : i32 to index
        %get3A_382 = tpu.vector_load %arg6[%get3A_379, %get3A_380, %get3A_381] {strides = array<i32>} : memref<2x64x512xf32, #tpu.memory_space<vmem>>, vector<1x1x16xf32>,
        %get3A_383 = vector.shape_cast %get3A_382 : vector<1x1x16xf32> to vector<16xf32>
        %get3A_384 = arith.constant 0 : i32
        %get3A_385 = arith.constant 17 : i32
        %get3A_386 = arith.index_cast %get3A_384 : i32 to index
        %get3A_387 = arith.index_cast %get3A_385 : i32 to index
        %get3A_388 = arith.index_cast %multiple_of3A : i32 to index
        %get3A_389 = tpu.vector_load %arg6[%get3A_386, %get3A_387, %get3A_388] {strides = array<i32>} : memref<2x64x512xf32, #tpu.memory_space<vmem>>, vector<1x1x16xf32>,
        %get3A_390 = vector.shape_cast %get3A_389 : vector<1x1x16xf32> to vector<16xf32>
        %get3A_391 = arith.constant 0 : i32
        %get3A_392 = arith.constant 18 : i32
        %get3A_393 = arith.index_cast %get3A_391 : i32 to index
        %get3A_394 = arith.index_cast %get3A_392 : i32 to index
        %get3A_395 = arith.index_cast %multiple_of3A : i32 to index
        %get3A_396 = tpu.vector_load %arg6[%get3A_393, %get3A_394, %get3A_395] {strides = array<i32>} : memref<2x64x512xf32, #tpu.memory_space<vmem>>, vector<1x1x16xf32>,
        %get3A_397 = vector.shape_cast %get3A_396 : vector<1x1x16xf32> to vector<16xf32>
        %get3A_398 = arith.constant 0 : i32
        %get3A_399 = arith.constant 19 : i32
        %get3A_400 = arith.index_cast %get3A_398 : i32 to index
        %get3A_401 = arith.index_cast %get3A_399 : i32 to index
        %get3A_402 = arith.index_cast %multiple_of3A : i32 to index
        %get3A_403 = tpu.vector_load %arg6[%get3A_400, %get3A_401, %get3A_402] {strides = array<i32>} : memref<2x64x512xf32, #tpu.memory_space<vmem>>, vector<1x1x16xf32>,
        %get3A_404 = vector.shape_cast %get3A_403 : vector<1x1x16xf32> to vector<16xf32>
        %get3A_405 = arith.constant 0 : i32
        %get3A_406 = arith.constant 20 : i32
        %get3A_407 = arith.index_cast %get3A_405 : i32 to index
        %get3A_408 = arith.index_cast %get3A_406 : i32 to index
        %get3A_409 = arith.index_cast %multiple_of3A : i32 to index
        %get3A_410 = tpu.vector_load %arg6[%get3A_407, %get3A_408, %get3A_409] {strides = array<i32>} : memref<2x64x512xf32, #tpu.memory_space<vmem>>, vector<1x1x16xf32>,
        %get3A_411 = vector.shape_cast %get3A_410 : vector<1x1x16xf32> to vector<16xf32>
        %get3A_412 = arith.constant 0 : i32
        %get3A_413 = arith.constant 21 : i32
        %get3A_414 = arith.index_cast %get3A_412 : i32 to index
        %get3A_415 = arith.index_cast %get3A_413 : i32 to index
        %get3A_416 = arith.index_cast %multiple_of3A : i32 to index
        %get3A_417 = tpu.vector_load %arg6[%get3A_414, %get3A_415, %get3A_416] {strides = array<i32>} : memref<2x64x512xf32, #tpu.memory_space<vmem>>, vector<1x1x16xf32>,
        %get3A_418 = vector.shape_cast %get3A_417 : vector<1x1x16xf32> to vector<16xf32>
        %get3A_419 = arith.constant 0 : i32
        %get3A_420 = arith.constant 22 : i32
        %get3A_421 = arith.index_cast %get3A_419 : i32 to index
        %get3A_422 = arith.index_cast %get3A_420 : i32 to index
        %get3A_423 = arith.index_cast %multiple_of3A : i32 to index
        %get3A_424 = tpu.vector_load %arg6[%get3A_421, %get3A_422, %get3A_423] {strides = array<i32>} : memref<2x64x512xf32, #tpu.memory_space<vmem>>, vector<1x1x16xf32>,
        %get3A_425 = vector.shape_cast %get3A_424 : vector<1x1x16xf32> to vector<16xf32>
        %get3A_426 = arith.constant 0 : i32
        %get3A_427 = arith.constant 23 : i32
        %get3A_428 = arith.index_cast %get3A_426 : i32 to index
        %get3A_429 = arith.index_cast %get3A_427 : i32 to index
        %get3A_430 = arith.index_cast %multiple_of3A : i32 to index
        %get3A_431 = tpu.vector_load %arg6[%get3A_428, %get3A_429, %get3A_430] {strides = array<i32>} : memref<2x64x512xf32, #tpu.memory_space<vmem>>, vector<1x1x16xf32>,
        %get3A_432 = vector.shape_cast %get3A_431 : vector<1x1x16xf32> to vector<16xf32>
        %add3A_433 = arith.addf %get3A_383, %get3A_390 : vector<16xf32>
        %add3A_434 = arith.addf %get3A_397, %get3A_404 : vector<16xf32>
        %add3A_435 = arith.addf %get3A_411, %get3A_418 : vector<16xf32>
        %add3A_436 = arith.addf %get3A_425, %get3A_432 : vector<16xf32>
        %add3A_437 = arith.addf %add3A_433, %add3A_434 : vector<16xf32>
        %add3A_438 = arith.addf %add3A_435, %add3A_436 : vector<16xf32>
        %add3A_439 = arith.addf %add3A_437, %add3A_438 : vector<16xf32>
        %swap3A_440 = arith.constant 0 : i32
        %swap3A_441 = arith.constant 2 : i32
        %swap3A_442 = arith.index_cast %swap3A_440 : i32 to index
        %swap3A_443 = arith.index_cast %swap3A_441 : i32 to index
        %swap3A_444 = arith.index_cast %multiple_of3A : i32 to index
        %swap3A_445 = tpu.vector_load %arg7[%swap3A_442, %swap3A_443, %swap3A_444] {strides = array<i32>} : memref<2x8x512xf32, #tpu.memory_space<vmem>>, vector<1x1x16xf32>,
        %swap3A_446 = vector.shape_cast %swap3A_445 : vector<1x1x16xf32> to vector<16xf32>
        %swap3A_447 = vector.shape_cast %add3A_439 : vector<16xf32> to vector<1x1x16xf32>
        tpu.vector_store %arg7[%swap3A_442, %swap3A_443, %swap3A_444], %swap3A_447 {strides = array<i32>} : memref<2x8x512xf32, #tpu.memory_space<vmem>>, vector<1x1x16xf32>,
        %get3A_448 = arith.constant 0 : i32
        %get3A_449 = arith.constant 24 : i32
        %get3A_450 = arith.index_cast %get3A_448 : i32 to index
        %get3A_451 = arith.index_cast %get3A_449 : i32 to index
        %get3A_452 = arith.index_cast %multiple_of3A : i32 to index
        %get3A_453 = tpu.vector_load %arg6[%get3A_450, %get3A_451, %get3A_452] {strides = array<i32>} : memref<2x64x512xf32, #tpu.memory_space<vmem>>, vector<1x1x16xf32>,
        %get3A_454 = vector.shape_cast %get3A_453 : vector<1x1x16xf32> to vector<16xf32>
        %get3A_455 = arith.constant 0 : i32
        %get3A_456 = arith.constant 25 : i32
        %get3A_457 = arith.index_cast %get3A_455 : i32 to index
        %get3A_458 = arith.index_cast %get3A_456 : i32 to index
        %get3A_459 = arith.index_cast %multiple_of3A : i32 to index
        %get3A_460 = tpu.vector_load %arg6[%get3A_457, %get3A_458, %get3A_459] {strides = array<i32>} : memref<2x64x512xf32, #tpu.memory_space<vmem>>, vector<1x1x16xf32>,
        %get3A_461 = vector.shape_cast %get3A_460 : vector<1x1x16xf32> to vector<16xf32>
        %get3A_462 = arith.constant 0 : i32
        %get3A_463 = arith.constant 26 : i32
        %get3A_464 = arith.index_cast %get3A_462 : i32 to index
        %get3A_465 = arith.index_cast %get3A_463 : i32 to index
        %get3A_466 = arith.index_cast %multiple_of3A : i32 to index
        %get3A_467 = tpu.vector_load %arg6[%get3A_464, %get3A_465, %get3A_466] {strides = array<i32>} : memref<2x64x512xf32, #tpu.memory_space<vmem>>, vector<1x1x16xf32>,
        %get3A_468 = vector.shape_cast %get3A_467 : vector<1x1x16xf32> to vector<16xf32>
        %get3A_469 = arith.constant 0 : i32
        %get3A_470 = arith.constant 27 : i32
        %get3A_471 = arith.index_cast %get3A_469 : i32 to index
        %get3A_472 = arith.index_cast %get3A_470 : i32 to index
        %get3A_473 = arith.index_cast %multiple_of3A : i32 to index
        %get3A_474 = tpu.vector_load %arg6[%get3A_471, %get3A_472, %get3A_473] {strides = array<i32>} : memref<2x64x512xf32, #tpu.memory_space<vmem>>, vector<1x1x16xf32>,
        %get3A_475 = vector.shape_cast %get3A_474 : vector<1x1x16xf32> to vector<16xf32>
        %get3A_476 = arith.constant 0 : i32
        %get3A_477 = arith.constant 28 : i32
        %get3A_478 = arith.index_cast %get3A_476 : i32 to index
        %get3A_479 = arith.index_cast %get3A_477 : i32 to index
        %get3A_480 = arith.index_cast %multiple_of3A : i32 to index
        %get3A_481 = tpu.vector_load %arg6[%get3A_478, %get3A_479, %get3A_480] {strides = array<i32>} : memref<2x64x512xf32, #tpu.memory_space<vmem>>, vector<1x1x16xf32>,
        %get3A_482 = vector.shape_cast %get3A_481 : vector<1x1x16xf32> to vector<16xf32>
        %get3A_483 = arith.constant 0 : i32
        %get3A_484 = arith.constant 29 : i32
        %get3A_485 = arith.index_cast %get3A_483 : i32 to index
        %get3A_486 = arith.index_cast %get3A_484 : i32 to index
        %get3A_487 = arith.index_cast %multiple_of3A : i32 to index
        %get3A_488 = tpu.vector_load %arg6[%get3A_485, %get3A_486, %get3A_487] {strides = array<i32>} : memref<2x64x512xf32, #tpu.memory_space<vmem>>, vector<1x1x16xf32>,
        %get3A_489 = vector.shape_cast %get3A_488 : vector<1x1x16xf32> to vector<16xf32>
        %get3A_490 = arith.constant 0 : i32
        %get3A_491 = arith.constant 30 : i32
        %get3A_492 = arith.index_cast %get3A_490 : i32 to index
        %get3A_493 = arith.index_cast %get3A_491 : i32 to index
        %get3A_494 = arith.index_cast %multiple_of3A : i32 to index
        %get3A_495 = tpu.vector_load %arg6[%get3A_492, %get3A_493, %get3A_494] {strides = array<i32>} : memref<2x64x512xf32, #tpu.memory_space<vmem>>, vector<1x1x16xf32>,
        %get3A_496 = vector.shape_cast %get3A_495 : vector<1x1x16xf32> to vector<16xf32>
        %get3A_497 = arith.constant 0 : i32
        %get3A_498 = arith.constant 31 : i32
        %get3A_499 = arith.index_cast %get3A_497 : i32 to index
        %get3A_500 = arith.index_cast %get3A_498 : i32 to index
        %get3A_501 = arith.index_cast %multiple_of3A : i32 to index
        %get3A_502 = tpu.vector_load %arg6[%get3A_499, %get3A_500, %get3A_501] {strides = array<i32>} : memref<2x64x512xf32, #tpu.memory_space<vmem>>, vector<1x1x16xf32>,
        %get3A_503 = vector.shape_cast %get3A_502 : vector<1x1x16xf32> to vector<16xf32>
        %add3A_504 = arith.addf %get3A_454, %get3A_461 : vector<16xf32>
        %add3A_505 = arith.addf %get3A_468, %get3A_475 : vector<16xf32>
        %add3A_506 = arith.addf %get3A_482, %get3A_489 : vector<16xf32>
        %add3A_507 = arith.addf %get3A_496, %get3A_503 : vector<16xf32>
        %add3A_508 = arith.addf %add3A_504, %add3A_505 : vector<16xf32>
        %add3A_509 = arith.addf %add3A_506, %add3A_507 : vector<16xf32>
        %add3A_510 = arith.addf %add3A_508, %add3A_509 : vector<16xf32>
        %swap3A_511 = arith.constant 0 : i32
        %swap3A_512 = arith.constant 3 : i32
        %swap3A_513 = arith.index_cast %swap3A_511 : i32 to index
        %swap3A_514 = arith.index_cast %swap3A_512 : i32 to index
        %swap3A_515 = arith.index_cast %multiple_of3A : i32 to index
        %swap3A_516 = tpu.vector_load %arg7[%swap3A_513, %swap3A_514, %swap3A_515] {strides = array<i32>} : memref<2x8x512xf32, #tpu.memory_space<vmem>>, vector<1x1x16xf32>,
        %swap3A_517 = vector.shape_cast %swap3A_516 : vector<1x1x16xf32> to vector<16xf32>
        %swap3A_518 = vector.shape_cast %add3A_510 : vector<16xf32> to vector<1x1x16xf32>
        tpu.vector_store %arg7[%swap3A_513, %swap3A_514, %swap3A_515], %swap3A_518 {strides = array<i32>} : memref<2x8x512xf32, #tpu.memory_space<vmem>>, vector<1x1x16xf32>,
        %get3A_519 = arith.constant 0 : i32
        %get3A_520 = arith.constant 32 : i32
        %get3A_521 = arith.index_cast %get3A_519 : i32 to index
        %get3A_522 = arith.index_cast %get3A_520 : i32 to index
        %get3A_523 = arith.index_cast %multiple_of3A : i32 to index
        %get3A_524 = tpu.vector_load %arg6[%get3A_521, %get3A_522, %get3A_523] {strides = array<i32>} : memref<2x64x512xf32, #tpu.memory_space<vmem>>, vector<1x1x16xf32>,
        %get3A_525 = vector.shape_cast %get3A_524 : vector<1x1x16xf32> to vector<16xf32>
        %get3A_526 = arith.constant 0 : i32
        %get3A_527 = arith.constant 33 : i32
        %get3A_528 = arith.index_cast %get3A_526 : i32 to index
        %get3A_529 = arith.index_cast %get3A_527 : i32 to index
        %get3A_530 = arith.index_cast %multiple_of3A : i32 to index
        %get3A_531 = tpu.vector_load %arg6[%get3A_528, %get3A_529, %get3A_530] {strides = array<i32>} : memref<2x64x512xf32, #tpu.memory_space<vmem>>, vector<1x1x16xf32>,
        %get3A_532 = vector.shape_cast %get3A_531 : vector<1x1x16xf32> to vector<16xf32>
        %get3A_533 = arith.constant 0 : i32
        %get3A_534 = arith.constant 34 : i32
        %get3A_535 = arith.index_cast %get3A_533 : i32 to index
        %get3A_536 = arith.index_cast %get3A_534 : i32 to index
        %get3A_537 = arith.index_cast %multiple_of3A : i32 to index
        %get3A_538 = tpu.vector_load %arg6[%get3A_535, %get3A_536, %get3A_537] {strides = array<i32>} : memref<2x64x512xf32, #tpu.memory_space<vmem>>, vector<1x1x16xf32>,
        %get3A_539 = vector.shape_cast %get3A_538 : vector<1x1x16xf32> to vector<16xf32>
        %get3A_540 = arith.constant 0 : i32
        %get3A_541 = arith.constant 35 : i32
        %get3A_542 = arith.index_cast %get3A_540 : i32 to index
        %get3A_543 = arith.index_cast %get3A_541 : i32 to index
        %get3A_544 = arith.index_cast %multiple_of3A : i32 to index
        %get3A_545 = tpu.vector_load %arg6[%get3A_542, %get3A_543, %get3A_544] {strides = array<i32>} : memref<2x64x512xf32, #tpu.memory_space<vmem>>, vector<1x1x16xf32>,
        %get3A_546 = vector.shape_cast %get3A_545 : vector<1x1x16xf32> to vector<16xf32>
        %get3A_547 = arith.constant 0 : i32
        %get3A_548 = arith.constant 36 : i32
        %get3A_549 = arith.index_cast %get3A_547 : i32 to index
        %get3A_550 = arith.index_cast %get3A_548 : i32 to index
        %get3A_551 = arith.index_cast %multiple_of3A : i32 to index
        %get3A_552 = tpu.vector_load %arg6[%get3A_549, %get3A_550, %get3A_551] {strides = array<i32>} : memref<2x64x512xf32, #tpu.memory_space<vmem>>, vector<1x1x16xf32>,
        %get3A_553 = vector.shape_cast %get3A_552 : vector<1x1x16xf32> to vector<16xf32>
        %get3A_554 = arith.constant 0 : i32
        %get3A_555 = arith.constant 37 : i32
        %get3A_556 = arith.index_cast %get3A_554 : i32 to index
        %get3A_557 = arith.index_cast %get3A_555 : i32 to index
        %get3A_558 = arith.index_cast %multiple_of3A : i32 to index
        %get3A_559 = tpu.vector_load %arg6[%get3A_556, %get3A_557, %get3A_558] {strides = array<i32>} : memref<2x64x512xf32, #tpu.memory_space<vmem>>, vector<1x1x16xf32>,
        %get3A_560 = vector.shape_cast %get3A_559 : vector<1x1x16xf32> to vector<16xf32>
        %get3A_561 = arith.constant 0 : i32
        %get3A_562 = arith.constant 38 : i32
        %get3A_563 = arith.index_cast %get3A_561 : i32 to index
        %get3A_564 = arith.index_cast %get3A_562 : i32 to index
        %get3A_565 = arith.index_cast %multiple_of3A : i32 to index
        %get3A_566 = tpu.vector_load %arg6[%get3A_563, %get3A_564, %get3A_565] {strides = array<i32>} : memref<2x64x512xf32, #tpu.memory_space<vmem>>, vector<1x1x16xf32>,
        %get3A_567 = vector.shape_cast %get3A_566 : vector<1x1x16xf32> to vector<16xf32>
        %get3A_568 = arith.constant 0 : i32
        %get3A_569 = arith.constant 39 : i32
        %get3A_570 = arith.index_cast %get3A_568 : i32 to index
        %get3A_571 = arith.index_cast %get3A_569 : i32 to index
        %get3A_572 = arith.index_cast %multiple_of3A : i32 to index
        %get3A_573 = tpu.vector_load %arg6[%get3A_570, %get3A_571, %get3A_572] {strides = array<i32>} : memref<2x64x512xf32, #tpu.memory_space<vmem>>, vector<1x1x16xf32>,
        %get3A_574 = vector.shape_cast %get3A_573 : vector<1x1x16xf32> to vector<16xf32>
        %add3A_575 = arith.addf %get3A_525, %get3A_532 : vector<16xf32>
        %add3A_576 = arith.addf %get3A_539, %get3A_546 : vector<16xf32>
        %add3A_577 = arith.addf %get3A_553, %get3A_560 : vector<16xf32>
        %add3A_578 = arith.addf %get3A_567, %get3A_574 : vector<16xf32>
        %add3A_579 = arith.addf %add3A_575, %add3A_576 : vector<16xf32>
        %add3A_580 = arith.addf %add3A_577, %add3A_578 : vector<16xf32>
        %add3A_581 = arith.addf %add3A_579, %add3A_580 : vector<16xf32>
        %swap3A_582 = arith.constant 0 : i32
        %swap3A_583 = arith.constant 4 : i32
        %swap3A_584 = arith.index_cast %swap3A_582 : i32 to index
        %swap3A_585 = arith.index_cast %swap3A_583 : i32 to index
        %swap3A_586 = arith.index_cast %multiple_of3A : i32 to index
        %swap3A_587 = tpu.vector_load %arg7[%swap3A_584, %swap3A_585, %swap3A_586] {strides = array<i32>} : memref<2x8x512xf32, #tpu.memory_space<vmem>>, vector<1x1x16xf32>,
        %swap3A_588 = vector.shape_cast %swap3A_587 : vector<1x1x16xf32> to vector<16xf32>
        %swap3A_589 = vector.shape_cast %add3A_581 : vector<16xf32> to vector<1x1x16xf32>
        tpu.vector_store %arg7[%swap3A_584, %swap3A_585, %swap3A_586], %swap3A_589 {strides = array<i32>} : memref<2x8x512xf32, #tpu.memory_space<vmem>>, vector<1x1x16xf32>,
        %get3A_590 = arith.constant 0 : i32
        %get3A_591 = arith.constant 40 : i32
        %get3A_592 = arith.index_cast %get3A_590 : i32 to index
        %get3A_593 = arith.index_cast %get3A_591 : i32 to index
        %get3A_594 = arith.index_cast %multiple_of3A : i32 to index
        %get3A_595 = tpu.vector_load %arg6[%get3A_592, %get3A_593, %get3A_594] {strides = array<i32>} : memref<2x64x512xf32, #tpu.memory_space<vmem>>, vector<1x1x16xf32>,
        %get3A_596 = vector.shape_cast %get3A_595 : vector<1x1x16xf32> to vector<16xf32>
        %get3A_597 = arith.constant 0 : i32
        %get3A_598 = arith.constant 41 : i32
        %get3A_599 = arith.index_cast %get3A_597 : i32 to index
        %get3A_600 = arith.index_cast %get3A_598 : i32 to index
        %get3A_601 = arith.index_cast %multiple_of3A : i32 to index
        %get3A_602 = tpu.vector_load %arg6[%get3A_599, %get3A_600, %get3A_601] {strides = array<i32>} : memref<2x64x512xf32, #tpu.memory_space<vmem>>, vector<1x1x16xf32>,
        %get3A_603 = vector.shape_cast %get3A_602 : vector<1x1x16xf32> to vector<16xf32>
        %get3A_604 = arith.constant 0 : i32
        %get3A_605 = arith.constant 42 : i32
        %get3A_606 = arith.index_cast %get3A_604 : i32 to index
        %get3A_607 = arith.index_cast %get3A_605 : i32 to index
        %get3A_608 = arith.index_cast %multiple_of3A : i32 to index
        %get3A_609 = tpu.vector_load %arg6[%get3A_606, %get3A_607, %get3A_608] {strides = array<i32>} : memref<2x64x512xf32, #tpu.memory_space<vmem>>, vector<1x1x16xf32>,
        %get3A_610 = vector.shape_cast %get3A_609 : vector<1x1x16xf32> to vector<16xf32>
        %get3A_611 = arith.constant 0 : i32
        %get3A_612 = arith.constant 43 : i32
        %get3A_613 = arith.index_cast %get3A_611 : i32 to index
        %get3A_614 = arith.index_cast %get3A_612 : i32 to index
        %get3A_615 = arith.index_cast %multiple_of3A : i32 to index
        %get3A_616 = tpu.vector_load %arg6[%get3A_613, %get3A_614, %get3A_615] {strides = array<i32>} : memref<2x64x512xf32, #tpu.memory_space<vmem>>, vector<1x1x16xf32>,
        %get3A_617 = vector.shape_cast %get3A_616 : vector<1x1x16xf32> to vector<16xf32>
        %get3A_618 = arith.constant 0 : i32
        %get3A_619 = arith.constant 44 : i32
        %get3A_620 = arith.index_cast %get3A_618 : i32 to index
        %get3A_621 = arith.index_cast %get3A_619 : i32 to index
        %get3A_622 = arith.index_cast %multiple_of3A : i32 to index
        %get3A_623 = tpu.vector_load %arg6[%get3A_620, %get3A_621, %get3A_622] {strides = array<i32>} : memref<2x64x512xf32, #tpu.memory_space<vmem>>, vector<1x1x16xf32>,
        %get3A_624 = vector.shape_cast %get3A_623 : vector<1x1x16xf32> to vector<16xf32>
        %get3A_625 = arith.constant 0 : i32
        %get3A_626 = arith.constant 45 : i32
        %get3A_627 = arith.index_cast %get3A_625 : i32 to index
        %get3A_628 = arith.index_cast %get3A_626 : i32 to index
        %get3A_629 = arith.index_cast %multiple_of3A : i32 to index
        %get3A_630 = tpu.vector_load %arg6[%get3A_627, %get3A_628, %get3A_629] {strides = array<i32>} : memref<2x64x512xf32, #tpu.memory_space<vmem>>, vector<1x1x16xf32>,
        %get3A_631 = vector.shape_cast %get3A_630 : vector<1x1x16xf32> to vector<16xf32>
        %get3A_632 = arith.constant 0 : i32
        %get3A_633 = arith.constant 46 : i32
        %get3A_634 = arith.index_cast %get3A_632 : i32 to index
        %get3A_635 = arith.index_cast %get3A_633 : i32 to index
        %get3A_636 = arith.index_cast %multiple_of3A : i32 to index
        %get3A_637 = tpu.vector_load %arg6[%get3A_634, %get3A_635, %get3A_636] {strides = array<i32>} : memref<2x64x512xf32, #tpu.memory_space<vmem>>, vector<1x1x16xf32>,
        %get3A_638 = vector.shape_cast %get3A_637 : vector<1x1x16xf32> to vector<16xf32>
        %get3A_639 = arith.constant 0 : i32
        %get3A_640 = arith.constant 47 : i32
        %get3A_641 = arith.index_cast %get3A_639 : i32 to index
        %get3A_642 = arith.index_cast %get3A_640 : i32 to index
        %get3A_643 = arith.index_cast %multiple_of3A : i32 to index
        %get3A_644 = tpu.vector_load %arg6[%get3A_641, %get3A_642, %get3A_643] {strides = array<i32>} : memref<2x64x512xf32, #tpu.memory_space<vmem>>, vector<1x1x16xf32>,
        %get3A_645 = vector.shape_cast %get3A_644 : vector<1x1x16xf32> to vector<16xf32>
        %add3A_646 = arith.addf %get3A_596, %get3A_603 : vector<16xf32>
        %add3A_647 = arith.addf %get3A_610, %get3A_617 : vector<16xf32>
        %add3A_648 = arith.addf %get3A_624, %get3A_631 : vector<16xf32>
        %add3A_649 = arith.addf %get3A_638, %get3A_645 : vector<16xf32>
        %add3A_650 = arith.addf %add3A_646, %add3A_647 : vector<16xf32>
        %add3A_651 = arith.addf %add3A_648, %add3A_649 : vector<16xf32>
        %add3A_652 = arith.addf %add3A_650, %add3A_651 : vector<16xf32>
        %swap3A_653 = arith.constant 0 : i32
        %swap3A_654 = arith.constant 5 : i32
        %swap3A_655 = arith.index_cast %swap3A_653 : i32 to index
        %swap3A_656 = arith.index_cast %swap3A_654 : i32 to index
        %swap3A_657 = arith.index_cast %multiple_of3A : i32 to index
        %swap3A_658 = tpu.vector_load %arg7[%swap3A_655, %swap3A_656, %swap3A_657] {strides = array<i32>} : memref<2x8x512xf32, #tpu.memory_space<vmem>>, vector<1x1x16xf32>,
        %swap3A_659 = vector.shape_cast %swap3A_658 : vector<1x1x16xf32> to vector<16xf32>
        %swap3A_660 = vector.shape_cast %add3A_652 : vector<16xf32> to vector<1x1x16xf32>
        tpu.vector_store %arg7[%swap3A_655, %swap3A_656, %swap3A_657], %swap3A_660 {strides = array<i32>} : memref<2x8x512xf32, #tpu.memory_space<vmem>>, vector<1x1x16xf32>,
        %get3A_661 = arith.constant 0 : i32
        %get3A_662 = arith.constant 48 : i32
        %get3A_663 = arith.index_cast %get3A_661 : i32 to index
        %get3A_664 = arith.index_cast %get3A_662 : i32 to index
        %get3A_665 = arith.index_cast %multiple_of3A : i32 to index
        %get3A_666 = tpu.vector_load %arg6[%get3A_663, %get3A_664, %get3A_665] {strides = array<i32>} : memref<2x64x512xf32, #tpu.memory_space<vmem>>, vector<1x1x16xf32>,
        %get3A_667 = vector.shape_cast %get3A_666 : vector<1x1x16xf32> to vector<16xf32>
        %get3A_668 = arith.constant 0 : i32
        %get3A_669 = arith.constant 49 : i32
        %get3A_670 = arith.index_cast %get3A_668 : i32 to index
        %get3A_671 = arith.index_cast %get3A_669 : i32 to index
        %get3A_672 = arith.index_cast %multiple_of3A : i32 to index
        %get3A_673 = tpu.vector_load %arg6[%get3A_670, %get3A_671, %get3A_672] {strides = array<i32>} : memref<2x64x512xf32, #tpu.memory_space<vmem>>, vector<1x1x16xf32>,
        %get3A_674 = vector.shape_cast %get3A_673 : vector<1x1x16xf32> to vector<16xf32>
        %get3A_675 = arith.constant 0 : i32
        %get3A_676 = arith.constant 50 : i32
        %get3A_677 = arith.index_cast %get3A_675 : i32 to index
        %get3A_678 = arith.index_cast %get3A_676 : i32 to index
        %get3A_679 = arith.index_cast %multiple_of3A : i32 to index
        %get3A_680 = tpu.vector_load %arg6[%get3A_677, %get3A_678, %get3A_679] {strides = array<i32>} : memref<2x64x512xf32, #tpu.memory_space<vmem>>, vector<1x1x16xf32>,
        %get3A_681 = vector.shape_cast %get3A_680 : vector<1x1x16xf32> to vector<16xf32>
        %get3A_682 = arith.constant 0 : i32
        %get3A_683 = arith.constant 51 : i32
        %get3A_684 = arith.index_cast %get3A_682 : i32 to index
        %get3A_685 = arith.index_cast %get3A_683 : i32 to index
        %get3A_686 = arith.index_cast %multiple_of3A : i32 to index
        %get3A_687 = tpu.vector_load %arg6[%get3A_684, %get3A_685, %get3A_686] {strides = array<i32>} : memref<2x64x512xf32, #tpu.memory_space<vmem>>, vector<1x1x16xf32>,
        %get3A_688 = vector.shape_cast %get3A_687 : vector<1x1x16xf32> to vector<16xf32>
        %get3A_689 = arith.constant 0 : i32
        %get3A_690 = arith.constant 52 : i32
        %get3A_691 = arith.index_cast %get3A_689 : i32 to index
        %get3A_692 = arith.index_cast %get3A_690 : i32 to index
        %get3A_693 = arith.index_cast %multiple_of3A : i32 to index
        %get3A_694 = tpu.vector_load %arg6[%get3A_691, %get3A_692, %get3A_693] {strides = array<i32>} : memref<2x64x512xf32, #tpu.memory_space<vmem>>, vector<1x1x16xf32>,
        %get3A_695 = vector.shape_cast %get3A_694 : vector<1x1x16xf32> to vector<16xf32>
        %get3A_696 = arith.constant 0 : i32
        %get3A_697 = arith.constant 53 : i32
        %get3A_698 = arith.index_cast %get3A_696 : i32 to index
        %get3A_699 = arith.index_cast %get3A_697 : i32 to index
        %get3A_700 = arith.index_cast %multiple_of3A : i32 to index
        %get3A_701 = tpu.vector_load %arg6[%get3A_698, %get3A_699, %get3A_700] {strides = array<i32>} : memref<2x64x512xf32, #tpu.memory_space<vmem>>, vector<1x1x16xf32>,
        %get3A_702 = vector.shape_cast %get3A_701 : vector<1x1x16xf32> to vector<16xf32>
        %get3A_703 = arith.constant 0 : i32
        %get3A_704 = arith.constant 54 : i32
        %get3A_705 = arith.index_cast %get3A_703 : i32 to index
        %get3A_706 = arith.index_cast %get3A_704 : i32 to index
        %get3A_707 = arith.index_cast %multiple_of3A : i32 to index
        %get3A_708 = tpu.vector_load %arg6[%get3A_705, %get3A_706, %get3A_707] {strides = array<i32>} : memref<2x64x512xf32, #tpu.memory_space<vmem>>, vector<1x1x16xf32>,
        %get3A_709 = vector.shape_cast %get3A_708 : vector<1x1x16xf32> to vector<16xf32>
        %get3A_710 = arith.constant 0 : i32
        %get3A_711 = arith.constant 55 : i32
        %get3A_712 = arith.index_cast %get3A_710 : i32 to index
        %get3A_713 = arith.index_cast %get3A_711 : i32 to index
        %get3A_714 = arith.index_cast %multiple_of3A : i32 to index
        %get3A_715 = tpu.vector_load %arg6[%get3A_712, %get3A_713, %get3A_714] {strides = array<i32>} : memref<2x64x512xf32, #tpu.memory_space<vmem>>, vector<1x1x16xf32>,
        %get3A_716 = vector.shape_cast %get3A_715 : vector<1x1x16xf32> to vector<16xf32>
        %add3A_717 = arith.addf %get3A_667, %get3A_674 : vector<16xf32>
        %add3A_718 = arith.addf %get3A_681, %get3A_688 : vector<16xf32>
        %add3A_719 = arith.addf %get3A_695, %get3A_702 : vector<16xf32>
        %add3A_720 = arith.addf %get3A_709, %get3A_716 : vector<16xf32>
        %add3A_721 = arith.addf %add3A_717, %add3A_718 : vector<16xf32>
        %add3A_722 = arith.addf %add3A_719, %add3A_720 : vector<16xf32>
        %add3A_723 = arith.addf %add3A_721, %add3A_722 : vector<16xf32>
        %swap3A_724 = arith.constant 0 : i32
        %swap3A_725 = arith.constant 6 : i32
        %swap3A_726 = arith.index_cast %swap3A_724 : i32 to index
        %swap3A_727 = arith.index_cast %swap3A_725 : i32 to index
        %swap3A_728 = arith.index_cast %multiple_of3A : i32 to index
        %swap3A_729 = tpu.vector_load %arg7[%swap3A_726, %swap3A_727, %swap3A_728] {strides = array<i32>} : memref<2x8x512xf32, #tpu.memory_space<vmem>>, vector<1x1x16xf32>,
        %swap3A_730 = vector.shape_cast %swap3A_729 : vector<1x1x16xf32> to vector<16xf32>
        %swap3A_731 = vector.shape_cast %add3A_723 : vector<16xf32> to vector<1x1x16xf32>
        tpu.vector_store %arg7[%swap3A_726, %swap3A_727, %swap3A_728], %swap3A_731 {strides = array<i32>} : memref<2x8x512xf32, #tpu.memory_space<vmem>>, vector<1x1x16xf32>,
        %get3A_732 = arith.constant 0 : i32
        %get3A_733 = arith.constant 56 : i32
        %get3A_734 = arith.index_cast %get3A_732 : i32 to index
        %get3A_735 = arith.index_cast %get3A_733 : i32 to index
        %get3A_736 = arith.index_cast %multiple_of3A : i32 to index
        %get3A_737 = tpu.vector_load %arg6[%get3A_734, %get3A_735, %get3A_736] {strides = array<i32>} : memref<2x64x512xf32, #tpu.memory_space<vmem>>, vector<1x1x16xf32>,
        %get3A_738 = vector.shape_cast %get3A_737 : vector<1x1x16xf32> to vector<16xf32>
        %get3A_739 = arith.constant 0 : i32
        %get3A_740 = arith.constant 57 : i32
        %get3A_741 = arith.index_cast %get3A_739 : i32 to index
        %get3A_742 = arith.index_cast %get3A_740 : i32 to index
        %get3A_743 = arith.index_cast %multiple_of3A : i32 to index
        %get3A_744 = tpu.vector_load %arg6[%get3A_741, %get3A_742, %get3A_743] {strides = array<i32>} : memref<2x64x512xf32, #tpu.memory_space<vmem>>, vector<1x1x16xf32>,
        %get3A_745 = vector.shape_cast %get3A_744 : vector<1x1x16xf32> to vector<16xf32>
        %get3A_746 = arith.constant 0 : i32
        %get3A_747 = arith.constant 58 : i32
        %get3A_748 = arith.index_cast %get3A_746 : i32 to index
        %get3A_749 = arith.index_cast %get3A_747 : i32 to index
        %get3A_750 = arith.index_cast %multiple_of3A : i32 to index
        %get3A_751 = tpu.vector_load %arg6[%get3A_748, %get3A_749, %get3A_750] {strides = array<i32>} : memref<2x64x512xf32, #tpu.memory_space<vmem>>, vector<1x1x16xf32>,
        %get3A_752 = vector.shape_cast %get3A_751 : vector<1x1x16xf32> to vector<16xf32>
        %get3A_753 = arith.constant 0 : i32
        %get3A_754 = arith.constant 59 : i32
        %get3A_755 = arith.index_cast %get3A_753 : i32 to index
        %get3A_756 = arith.index_cast %get3A_754 : i32 to index
        %get3A_757 = arith.index_cast %multiple_of3A : i32 to index
        %get3A_758 = tpu.vector_load %arg6[%get3A_755, %get3A_756, %get3A_757] {strides = array<i32>} : memref<2x64x512xf32, #tpu.memory_space<vmem>>, vector<1x1x16xf32>,
        %get3A_759 = vector.shape_cast %get3A_758 : vector<1x1x16xf32> to vector<16xf32>
        %get3A_760 = arith.constant 0 : i32
        %get3A_761 = arith.constant 60 : i32
        %get3A_762 = arith.index_cast %get3A_760 : i32 to index
        %get3A_763 = arith.index_cast %get3A_761 : i32 to index
        %get3A_764 = arith.index_cast %multiple_of3A : i32 to index
        %get3A_765 = tpu.vector_load %arg6[%get3A_762, %get3A_763, %get3A_764] {strides = array<i32>} : memref<2x64x512xf32, #tpu.memory_space<vmem>>, vector<1x1x16xf32>,
        %get3A_766 = vector.shape_cast %get3A_765 : vector<1x1x16xf32> to vector<16xf32>
        %get3A_767 = arith.constant 0 : i32
        %get3A_768 = arith.constant 61 : i32
        %get3A_769 = arith.index_cast %get3A_767 : i32 to index
        %get3A_770 = arith.index_cast %get3A_768 : i32 to index
        %get3A_771 = arith.index_cast %multiple_of3A : i32 to index
        %get3A_772 = tpu.vector_load %arg6[%get3A_769, %get3A_770, %get3A_771] {strides = array<i32>} : memref<2x64x512xf32, #tpu.memory_space<vmem>>, vector<1x1x16xf32>,
        %get3A_773 = vector.shape_cast %get3A_772 : vector<1x1x16xf32> to vector<16xf32>
        %get3A_774 = arith.constant 0 : i32
        %get3A_775 = arith.constant 62 : i32
        %get3A_776 = arith.index_cast %get3A_774 : i32 to index
        %get3A_777 = arith.index_cast %get3A_775 : i32 to index
        %get3A_778 = arith.index_cast %multiple_of3A : i32 to index
        %get3A_779 = tpu.vector_load %arg6[%get3A_776, %get3A_777, %get3A_778] {strides = array<i32>} : memref<2x64x512xf32, #tpu.memory_space<vmem>>, vector<1x1x16xf32>,
        %get3A_780 = vector.shape_cast %get3A_779 : vector<1x1x16xf32> to vector<16xf32>
        %get3A_781 = arith.constant 0 : i32
        %get3A_782 = arith.constant 63 : i32
        %get3A_783 = arith.index_cast %get3A_781 : i32 to index
        %get3A_784 = arith.index_cast %get3A_782 : i32 to index
        %get3A_785 = arith.index_cast %multiple_of3A : i32 to index
        %get3A_786 = tpu.vector_load %arg6[%get3A_783, %get3A_784, %get3A_785] {strides = array<i32>} : memref<2x64x512xf32, #tpu.memory_space<vmem>>, vector<1x1x16xf32>,
        %get3A_787 = vector.shape_cast %get3A_786 : vector<1x1x16xf32> to vector<16xf32>
        %add3A_788 = arith.addf %get3A_738, %get3A_745 : vector<16xf32>
        %add3A_789 = arith.addf %get3A_752, %get3A_759 : vector<16xf32>
        %add3A_790 = arith.addf %get3A_766, %get3A_773 : vector<16xf32>
        %add3A_791 = arith.addf %get3A_780, %get3A_787 : vector<16xf32>
        %add3A_792 = arith.addf %add3A_788, %add3A_789 : vector<16xf32>
        %add3A_793 = arith.addf %add3A_790, %add3A_791 : vector<16xf32>
        %add3A_794 = arith.addf %add3A_792, %add3A_793 : vector<16xf32>
        %swap3A_795 = arith.constant 0 : i32
        %swap3A_796 = arith.constant 7 : i32
        %swap3A_797 = arith.index_cast %swap3A_795 : i32 to index
        %swap3A_798 = arith.index_cast %swap3A_796 : i32 to index
        %swap3A_799 = arith.index_cast %multiple_of3A : i32 to index
        %swap3A_800 = tpu.vector_load %arg7[%swap3A_797, %swap3A_798, %swap3A_799] {strides = array<i32>} : memref<2x8x512xf32, #tpu.memory_space<vmem>>, vector<1x1x16xf32>,
        %swap3A_801 = vector.shape_cast %swap3A_800 : vector<1x1x16xf32> to vector<16xf32>
        %swap3A_802 = vector.shape_cast %add3A_794 : vector<16xf32> to vector<1x1x16xf32>
        tpu.vector_store %arg7[%swap3A_797, %swap3A_798, %swap3A_799], %swap3A_802 {strides = array<i32>} : memref<2x8x512xf32, #tpu.memory_space<vmem>>, vector<1x1x16xf32>,
      }
      %scan3A_156 = arith.constant 32 : i32
      %mul3A_157 = arith.constant 32 : i32
      %mul3A_158 = arith.muli %add3A_102, %mul3A_157 : i32
      %add3A_159 = arith.addi %add3A, %mul3A_158 : i32
      %min3A_160 = arith.constant 2499 : i32
      %min3A_161 = arith.minsi %add3A_159, %min3A_160 : i32
      %mul3A_162 = arith.constant 8 : i32
      %mul3A_163 = arith.muli %min3A_161, %mul3A_162 : i32
      %dma_start3A_164 = arith.constant 0 : i32
      %dma_start3A_165 = arith.constant 0 : i32
      %dma_start3A_166 = arith.constant 0 : i32
      %dma_start3A_167 = tpu.memref_slice %arg7[%dma_start3A_164, %dma_start3A_165, %dma_start3A_166] : memref<2x8x512xf32, #tpu.memory_space<vmem>> -> memref<1x8x512xf32, #tpu.memory_space<vmem>>
      %dma_start3A_168 = tpu.memref_squeeze %dma_start3A_167 : memref<1x8x512xf32, #tpu.memory_space<vmem>> -> memref<8x512xf32, #tpu.memory_space<vmem>>
      %dma_start3A_169 = arith.constant 0 : i32
      %dma_start3A_170 = tpu.memref_slice %arg4[%mul3A_163, %dma_start3A_169] : memref<20000x512xf32, #tpu.memory_space<hbm>> -> memref<8x512xf32, #tpu.memory_space<hbm>>
      %dma_start3A_171 = arith.constant 0 : i32
      %dma_start3A_172 = tpu.memref_slice %arg4[%mul3A_163, %dma_start3A_171] : memref<20000x512xf32, #tpu.memory_space<hbm>> -> memref<8x512xf32, #tpu.memory_space<hbm>>
      %dma_start3A_173 = arith.constant 0 : i32
      %dma_start3A_174 = arith.constant 0 : i32
      %dma_start3A_175 = tpu.memref_slice %arg7[%dma_start3A_164, %dma_start3A_173, %dma_start3A_174] : memref<2x8x512xf32, #tpu.memory_space<vmem>> -> memref<1x8x512xf32, #tpu.memory_space<vmem>>
      %dma_start3A_176 = tpu.memref_squeeze %dma_start3A_175 : memref<1x8x512xf32, #tpu.memory_space<vmem>> -> memref<8x512xf32, #tpu.memory_space<vmem>>
      tpu.enqueue_dma source(%dma_start3A_176 : memref<8x512xf32, #tpu.memory_space<vmem>>) target(%dma_start3A_172 : memref<8x512xf32, #tpu.memory_space<hbm>>) target_semaphore(%arg12 : memref<!tpu.dma_semaphore, #tpu.memory_space<semaphore_mem>>)
      %mul3A_177 = arith.constant 2 : i32
      %mul3A_178 = arith.muli %mul3A_177, %scan3A_98 : i32
      %add3A_179 = arith.constant 1 : i32
      %add3A_180 = arith.addi %mul3A_178, %add3A_179 : i32
      %lt3A_181 = arith.constant 39 : i32
      %lt3A_182 = arith.cmpi slt, %scan3A_98, %lt3A_181 : i32
      %convert_element_type3A_183 = arith.extui %lt3A_182 : i1 to i32
      %cond3A_184 = arith.constant 0 : i32
      %cond3A_185 = arith.cmpi ne, %convert_element_type3A_183, %cond3A_184 : i32
      scf.if %cond3A_185 {
        %add3A_234 = arith.constant 1 : i32
        %add3A_235 = arith.addi %add3A_180, %add3A_234 : i32
        %mul3A_236 = arith.constant 32 : i32
        %mul3A_237 = arith.muli %add3A_235, %mul3A_236 : i32
        %add3A_238 = arith.addi %add3A, %mul3A_237 : i32
        %min3A_239 = arith.constant 2499 : i32
        %min3A_240 = arith.minsi %add3A_238, %min3A_239 : i32
        %mul3A_241 = arith.constant 64 : i32
        %mul3A_242 = arith.muli %min3A_240, %mul3A_241 : i32
        %dma_wait3A_243 = arith.constant 0 : i32
        %dma_wait3A_244 = arith.constant 0 : i32
        %dma_wait3A_245 = tpu.memref_slice %arg5[%dma_wait3A_243, %dma_wait3A_244] : memref<2x64xi32, #tpu.memory_space<vmem>> -> memref<1x64xi32, #tpu.memory_space<vmem>>
        %dma_wait3A_246 = tpu.memref_squeeze %dma_wait3A_245 : memref<1x64xi32, #tpu.memory_space<vmem>> -> memref<64xi32, #tpu.memory_space<vmem>>
        %dma_wait3A_247 = tpu.memref_slice %arg3[%mul3A_242] : memref<160000xi32, #tpu.memory_space<hbm>> -> memref<64xi32, #tpu.memory_space<hbm>>
        %dma_wait3A_248 = arith.constant 0 : i32
        %dma_wait3A_249 = tpu.memref_slice %arg5[%dma_wait3A_243, %dma_wait3A_248] : memref<2x64xi32, #tpu.memory_space<vmem>> -> memref<1x64xi32, #tpu.memory_space<vmem>>
        %dma_wait3A_250 = tpu.memref_squeeze %dma_wait3A_249 : memref<1x64xi32, #tpu.memory_space<vmem>> -> memref<64xi32, #tpu.memory_space<vmem>>
        %dma_wait3A_251 = tpu.memref_slice %arg3[%mul3A_242] : memref<160000xi32, #tpu.memory_space<hbm>> -> memref<64xi32, #tpu.memory_space<hbm>>
        tpu.wait_dma2 semaphore(%arg8 : memref<!tpu.dma_semaphore, #tpu.memory_space<semaphore_mem>>) src(%dma_wait3A_251 : memref<64xi32, #tpu.memory_space<hbm>>) dst(%dma_wait3A_250 : memref<64xi32, #tpu.memory_space<vmem>>)
        %dma_start3A_252 = arith.constant 0 : i32
        %dma_start3A_253 = arith.constant 0 : i32
        %dma_start3A_254 = arith.constant 0 : i32
        %dma_start3A_255 = arith.constant 0 : i32
        %dma_start3A_256 = tpu.memref_slice %arg6[%dma_start3A_253, %dma_start3A_254, %dma_start3A_255] : memref<2x64x512xf32, #tpu.memory_space<vmem>> -> memref<1x64x512xf32, #tpu.memory_space<vmem>>
        %dma_start3A_257 = tpu.memref_squeeze %dma_start3A_256 : memref<1x64x512xf32, #tpu.memory_space<vmem>> -> memref<64x512xf32, #tpu.memory_space<vmem>>
        %dma_start3A_258 = arith.constant 0 : i32
        %dma_start3A_259 = tpu.memref_slice %arg5[%dma_start3A_252, %dma_start3A_258] : memref<2x64xi32, #tpu.memory_space<vmem>> -> memref<1x64xi32, #tpu.memory_space<vmem>>
        %dma_start3A_260 = tpu.memref_squeeze %dma_start3A_259 : memref<1x64xi32, #tpu.memory_space<vmem>> -> memref<64xi32, #tpu.memory_space<vmem>>
        %dma_start3A_261 = arith.constant 0 : i32
        %dma_start3A_262 = arith.constant 0 : i32
        %dma_start3A_263 = tpu.memref_slice %arg2[%dma_start3A_261, %dma_start3A_262] : memref<20000x512xf32, #tpu.memory_space<hbm>> -> memref<20000x512xf32, #tpu.memory_space<hbm>>
        tpu.enqueue_indirect_dma source(%dma_start3A_263 : memref<20000x512xf32, #tpu.memory_space<hbm>>) target(%dma_start3A_257 : memref<64x512xf32, #tpu.memory_space<vmem>>) offsets(%dma_start3A_260 : memref<64xi32, #tpu.memory_space<vmem>>) semaphore(%arg10 : memref<!tpu.dma_semaphore, #tpu.memory_space<semaphore_mem>>)
      } else {
      }
      %dma_wait3A_186 = arith.constant 1 : i32
      %dma_wait3A_187 = arith.constant 1 : i32
      %dma_wait3A_188 = arith.constant 0 : i32
      %dma_wait3A_189 = arith.constant 0 : i32
      %dma_wait3A_190 = tpu.memref_slice %arg6[%dma_wait3A_187, %dma_wait3A_188, %dma_wait3A_189] : memref<2x64x512xf32, #tpu.memory_space<vmem>> -> memref<1x64x512xf32, #tpu.memory_space<vmem>>
      %dma_wait3A_191 = tpu.memref_squeeze %dma_wait3A_190 : memref<1x64x512xf32, #tpu.memory_space<vmem>> -> memref<64x512xf32, #tpu.memory_space<vmem>>
      %dma_wait3A_192 = arith.constant 0 : i32
      %dma_wait3A_193 = tpu.memref_slice %arg5[%dma_wait3A_186, %dma_wait3A_192] : memref<2x64xi32, #tpu.memory_space<vmem>> -> memref<1x64xi32, #tpu.memory_space<vmem>>
      %dma_wait3A_194 = tpu.memref_squeeze %dma_wait3A_193 : memref<1x64xi32, #tpu.memory_space<vmem>> -> memref<64xi32, #tpu.memory_space<vmem>>
      %dma_wait3A_195 = arith.constant 0 : i32
      %dma_wait3A_196 = arith.constant 0 : i32
      %dma_wait3A_197 = tpu.memref_slice %arg2[%dma_wait3A_195, %dma_wait3A_196] : memref<20000x512xf32, #tpu.memory_space<hbm>> -> memref<20000x512xf32, #tpu.memory_space<hbm>>
      tpu.wait_indirect_dma semaphore(%arg11 : memref<!tpu.dma_semaphore, #tpu.memory_space<semaphore_mem>>) src(%dma_wait3A_197 : memref<20000x512xf32, #tpu.memory_space<hbm>>) dst(%dma_wait3A_191 : memref<64x512xf32, #tpu.memory_space<vmem>>)
      %lt3A_198 = arith.constant 39 : i32
      %lt3A_199 = arith.cmpi slt, %scan3A_98, %lt3A_198 : i32
      %convert_element_type3A_200 = arith.extui %lt3A_199 : i1 to i32
      %cond3A_201 = arith.constant 0 : i32
      %cond3A_202 = arith.cmpi ne, %convert_element_type3A_200, %cond3A_201 : i32
      scf.if %cond3A_202 {
        %add3A_234 = arith.constant 2 : i32
        %add3A_235 = arith.addi %add3A_180, %add3A_234 : i32
        %mul3A_236 = arith.constant 32 : i32
        %mul3A_237 = arith.muli %add3A_235, %mul3A_236 : i32
        %add3A_238 = arith.addi %add3A, %mul3A_237 : i32
        %min3A_239 = arith.constant 2499 : i32
        %min3A_240 = arith.minsi %add3A_238, %min3A_239 : i32
        %mul3A_241 = arith.constant 64 : i32
        %mul3A_242 = arith.muli %min3A_240, %mul3A_241 : i32
        %dma_start3A_243 = arith.constant 1 : i32
        %dma_start3A_244 = arith.constant 0 : i32
        %dma_start3A_245 = tpu.memref_slice %arg5[%dma_start3A_243, %dma_start3A_244] : memref<2x64xi32, #tpu.memory_space<vmem>> -> memref<1x64xi32, #tpu.memory_space<vmem>>
        %dma_start3A_246 = tpu.memref_squeeze %dma_start3A_245 : memref<1x64xi32, #tpu.memory_space<vmem>> -> memref<64xi32, #tpu.memory_space<vmem>>
        %dma_start3A_247 = tpu.memref_slice %arg3[%mul3A_242] : memref<160000xi32, #tpu.memory_space<hbm>> -> memref<64xi32, #tpu.memory_space<hbm>>
        %dma_start3A_248 = arith.constant 0 : i32
        %dma_start3A_249 = tpu.memref_slice %arg5[%dma_start3A_243, %dma_start3A_248] : memref<2x64xi32, #tpu.memory_space<vmem>> -> memref<1x64xi32, #tpu.memory_space<vmem>>
        %dma_start3A_250 = tpu.memref_squeeze %dma_start3A_249 : memref<1x64xi32, #tpu.memory_space<vmem>> -> memref<64xi32, #tpu.memory_space<vmem>>
        %dma_start3A_251 = tpu.memref_slice %arg3[%mul3A_242] : memref<160000xi32, #tpu.memory_space<hbm>> -> memref<64xi32, #tpu.memory_space<hbm>>
        tpu.enqueue_dma source(%dma_start3A_251 : memref<64xi32, #tpu.memory_space<hbm>>) target(%dma_start3A_250 : memref<64xi32, #tpu.memory_space<vmem>>) target_semaphore(%arg9 : memref<!tpu.dma_semaphore, #tpu.memory_space<semaphore_mem>>)
      } else {
      }
      %ge3A_203 = arith.constant 1 : i32
      %ge3A_204 = arith.cmpi sge, %scan3A_98, %ge3A_203 : i32
      %convert_element_type3A_205 = arith.extui %ge3A_204 : i1 to i32
      %cond3A_206 = arith.constant 0 : i32
      %cond3A_207 = arith.cmpi ne, %convert_element_type3A_205, %cond3A_206 : i32
      scf.if %cond3A_207 {
        %sub3A = arith.constant 2 : i32
        %sub3A_234 = arith.subi %add3A_180, %sub3A : i32
        %mul3A_235 = arith.constant 32 : i32
        %mul3A_236 = arith.muli %sub3A_234, %mul3A_235 : i32
        %add3A_237 = arith.addi %add3A, %mul3A_236 : i32
        %min3A_238 = arith.constant 2499 : i32
        %min3A_239 = arith.minsi %add3A_237, %min3A_238 : i32
        %mul3A_240 = arith.constant 8 : i32
        %mul3A_241 = arith.muli %min3A_239, %mul3A_240 : i32
        %dma_wait3A_242 = arith.constant 1 : i32
        %dma_wait3A_243 = arith.constant 0 : i32
        %dma_wait3A_244 = arith.constant 0 : i32
        %dma_wait3A_245 = tpu.memref_slice %arg7[%dma_wait3A_242, %dma_wait3A_243, %dma_wait3A_244] : memref<2x8x512xf32, #tpu.memory_space<vmem>> -> memref<1x8x512xf32, #tpu.memory_space<vmem>>
        %dma_wait3A_246 = tpu.memref_squeeze %dma_wait3A_245 : memref<1x8x512xf32, #tpu.memory_space<vmem>> -> memref<8x512xf32, #tpu.memory_space<vmem>>
        %dma_wait3A_247 = arith.constant 0 : i32
        %dma_wait3A_248 = tpu.memref_slice %arg4[%mul3A_241, %dma_wait3A_247] : memref<20000x512xf32, #tpu.memory_space<hbm>> -> memref<8x512xf32, #tpu.memory_space<hbm>>
        %dma_wait3A_249 = arith.constant 0 : i32
        %dma_wait3A_250 = tpu.memref_slice %arg4[%mul3A_241, %dma_wait3A_249] : memref<20000x512xf32, #tpu.memory_space<hbm>> -> memref<8x512xf32, #tpu.memory_space<hbm>>
        %dma_wait3A_251 = arith.constant 0 : i32
        %dma_wait3A_252 = arith.constant 0 : i32
        %dma_wait3A_253 = tpu.memref_slice %arg7[%dma_wait3A_242, %dma_wait3A_251, %dma_wait3A_252] : memref<2x8x512xf32, #tpu.memory_space<vmem>> -> memref<1x8x512xf32, #tpu.memory_space<vmem>>
        %dma_wait3A_254 = tpu.memref_squeeze %dma_wait3A_253 : memref<1x8x512xf32, #tpu.memory_space<vmem>> -> memref<8x512xf32, #tpu.memory_space<vmem>>
        tpu.wait_dma2 semaphore(%arg13 : memref<!tpu.dma_semaphore, #tpu.memory_space<semaphore_mem>>) src(%dma_wait3A_254 : memref<8x512xf32, #tpu.memory_space<vmem>>) dst(%dma_wait3A_250 : memref<8x512xf32, #tpu.memory_space<hbm>>)
      } else {
      }
      %scan3A_208 = arith.constant 0 : i32
      %scan3A_209 = arith.constant 0 : i32
      %scan3A_210 = arith.constant 32 : i32
      %scan3A_211 = arith.addi %scan3A_209, %scan3A_210 : i32
      %scan3A_212 = arith.constant 1 : i32
      scf.for %scan3A_234 = %scan3A_209 to %scan3A_211 step %scan3A_212  : i32 {
        %mul3A_235 = arith.constant 16 : i32
        %mul3A_236 = arith.muli %scan3A_234, %mul3A_235 : i32
        %multiple_of3A = tpu.assume_multiple %mul3A_236, 16 : i32
        %get3A = arith.constant 1 : i32
        %get3A_237 = arith.constant 0 : i32
        %get3A_238 = arith.index_cast %get3A : i32 to index
        %get3A_239 = arith.index_cast %get3A_237 : i32 to index
        %get3A_240 = arith.index_cast %multiple_of3A : i32 to index
        %get3A_241 = tpu.vector_load %arg6[%get3A_238, %get3A_239, %get3A_240] {strides = array<i32>} : memref<2x64x512xf32, #tpu.memory_space<vmem>>, vector<1x1x16xf32>,
        %get3A_242 = vector.shape_cast %get3A_241 : vector<1x1x16xf32> to vector<16xf32>
        %get3A_243 = arith.constant 1 : i32
        %get3A_244 = arith.constant 1 : i32
        %get3A_245 = arith.index_cast %get3A_243 : i32 to index
        %get3A_246 = arith.index_cast %get3A_244 : i32 to index
        %get3A_247 = arith.index_cast %multiple_of3A : i32 to index
        %get3A_248 = tpu.vector_load %arg6[%get3A_245, %get3A_246, %get3A_247] {strides = array<i32>} : memref<2x64x512xf32, #tpu.memory_space<vmem>>, vector<1x1x16xf32>,
        %get3A_249 = vector.shape_cast %get3A_248 : vector<1x1x16xf32> to vector<16xf32>
        %get3A_250 = arith.constant 1 : i32
        %get3A_251 = arith.constant 2 : i32
        %get3A_252 = arith.index_cast %get3A_250 : i32 to index
        %get3A_253 = arith.index_cast %get3A_251 : i32 to index
        %get3A_254 = arith.index_cast %multiple_of3A : i32 to index
        %get3A_255 = tpu.vector_load %arg6[%get3A_252, %get3A_253, %get3A_254] {strides = array<i32>} : memref<2x64x512xf32, #tpu.memory_space<vmem>>, vector<1x1x16xf32>,
        %get3A_256 = vector.shape_cast %get3A_255 : vector<1x1x16xf32> to vector<16xf32>
        %get3A_257 = arith.constant 1 : i32
        %get3A_258 = arith.constant 3 : i32
        %get3A_259 = arith.index_cast %get3A_257 : i32 to index
        %get3A_260 = arith.index_cast %get3A_258 : i32 to index
        %get3A_261 = arith.index_cast %multiple_of3A : i32 to index
        %get3A_262 = tpu.vector_load %arg6[%get3A_259, %get3A_260, %get3A_261] {strides = array<i32>} : memref<2x64x512xf32, #tpu.memory_space<vmem>>, vector<1x1x16xf32>,
        %get3A_263 = vector.shape_cast %get3A_262 : vector<1x1x16xf32> to vector<16xf32>
        %get3A_264 = arith.constant 1 : i32
        %get3A_265 = arith.constant 4 : i32
        %get3A_266 = arith.index_cast %get3A_264 : i32 to index
        %get3A_267 = arith.index_cast %get3A_265 : i32 to index
        %get3A_268 = arith.index_cast %multiple_of3A : i32 to index
        %get3A_269 = tpu.vector_load %arg6[%get3A_266, %get3A_267, %get3A_268] {strides = array<i32>} : memref<2x64x512xf32, #tpu.memory_space<vmem>>, vector<1x1x16xf32>,
        %get3A_270 = vector.shape_cast %get3A_269 : vector<1x1x16xf32> to vector<16xf32>
        %get3A_271 = arith.constant 1 : i32
        %get3A_272 = arith.constant 5 : i32
        %get3A_273 = arith.index_cast %get3A_271 : i32 to index
        %get3A_274 = arith.index_cast %get3A_272 : i32 to index
        %get3A_275 = arith.index_cast %multiple_of3A : i32 to index
        %get3A_276 = tpu.vector_load %arg6[%get3A_273, %get3A_274, %get3A_275] {strides = array<i32>} : memref<2x64x512xf32, #tpu.memory_space<vmem>>, vector<1x1x16xf32>,
        %get3A_277 = vector.shape_cast %get3A_276 : vector<1x1x16xf32> to vector<16xf32>
        %get3A_278 = arith.constant 1 : i32
        %get3A_279 = arith.constant 6 : i32
        %get3A_280 = arith.index_cast %get3A_278 : i32 to index
        %get3A_281 = arith.index_cast %get3A_279 : i32 to index
        %get3A_282 = arith.index_cast %multiple_of3A : i32 to index
        %get3A_283 = tpu.vector_load %arg6[%get3A_280, %get3A_281, %get3A_282] {strides = array<i32>} : memref<2x64x512xf32, #tpu.memory_space<vmem>>, vector<1x1x16xf32>,
        %get3A_284 = vector.shape_cast %get3A_283 : vector<1x1x16xf32> to vector<16xf32>
        %get3A_285 = arith.constant 1 : i32
        %get3A_286 = arith.constant 7 : i32
        %get3A_287 = arith.index_cast %get3A_285 : i32 to index
        %get3A_288 = arith.index_cast %get3A_286 : i32 to index
        %get3A_289 = arith.index_cast %multiple_of3A : i32 to index
        %get3A_290 = tpu.vector_load %arg6[%get3A_287, %get3A_288, %get3A_289] {strides = array<i32>} : memref<2x64x512xf32, #tpu.memory_space<vmem>>, vector<1x1x16xf32>,
        %get3A_291 = vector.shape_cast %get3A_290 : vector<1x1x16xf32> to vector<16xf32>
        %add3A_292 = arith.addf %get3A_242, %get3A_249 : vector<16xf32>
        %add3A_293 = arith.addf %get3A_256, %get3A_263 : vector<16xf32>
        %add3A_294 = arith.addf %get3A_270, %get3A_277 : vector<16xf32>
        %add3A_295 = arith.addf %get3A_284, %get3A_291 : vector<16xf32>
        %add3A_296 = arith.addf %add3A_292, %add3A_293 : vector<16xf32>
        %add3A_297 = arith.addf %add3A_294, %add3A_295 : vector<16xf32>
        %add3A_298 = arith.addf %add3A_296, %add3A_297 : vector<16xf32>
        %swap3A = arith.constant 1 : i32
        %swap3A_299 = arith.constant 0 : i32
        %swap3A_300 = arith.index_cast %swap3A : i32 to index
        %swap3A_301 = arith.index_cast %swap3A_299 : i32 to index
        %swap3A_302 = arith.index_cast %multiple_of3A : i32 to index
        %swap3A_303 = tpu.vector_load %arg7[%swap3A_300, %swap3A_301, %swap3A_302] {strides = array<i32>} : memref<2x8x512xf32, #tpu.memory_space<vmem>>, vector<1x1x16xf32>,
        %swap3A_304 = vector.shape_cast %swap3A_303 : vector<1x1x16xf32> to vector<16xf32>
        %swap3A_305 = vector.shape_cast %add3A_298 : vector<16xf32> to vector<1x1x16xf32>
        tpu.vector_store %arg7[%swap3A_300, %swap3A_301, %swap3A_302], %swap3A_305 {strides = array<i32>} : memref<2x8x512xf32, #tpu.memory_space<vmem>>, vector<1x1x16xf32>,
        %get3A_306 = arith.constant 1 : i32
        %get3A_307 = arith.constant 8 : i32
        %get3A_308 = arith.index_cast %get3A_306 : i32 to index
        %get3A_309 = arith.index_cast %get3A_307 : i32 to index
        %get3A_310 = arith.index_cast %multiple_of3A : i32 to index
        %get3A_311 = tpu.vector_load %arg6[%get3A_308, %get3A_309, %get3A_310] {strides = array<i32>} : memref<2x64x512xf32, #tpu.memory_space<vmem>>, vector<1x1x16xf32>,
        %get3A_312 = vector.shape_cast %get3A_311 : vector<1x1x16xf32> to vector<16xf32>
        %get3A_313 = arith.constant 1 : i32
        %get3A_314 = arith.constant 9 : i32
        %get3A_315 = arith.index_cast %get3A_313 : i32 to index
        %get3A_316 = arith.index_cast %get3A_314 : i32 to index
        %get3A_317 = arith.index_cast %multiple_of3A : i32 to index
        %get3A_318 = tpu.vector_load %arg6[%get3A_315, %get3A_316, %get3A_317] {strides = array<i32>} : memref<2x64x512xf32, #tpu.memory_space<vmem>>, vector<1x1x16xf32>,
        %get3A_319 = vector.shape_cast %get3A_318 : vector<1x1x16xf32> to vector<16xf32>
        %get3A_320 = arith.constant 1 : i32
        %get3A_321 = arith.constant 10 : i32
        %get3A_322 = arith.index_cast %get3A_320 : i32 to index
        %get3A_323 = arith.index_cast %get3A_321 : i32 to index
        %get3A_324 = arith.index_cast %multiple_of3A : i32 to index
        %get3A_325 = tpu.vector_load %arg6[%get3A_322, %get3A_323, %get3A_324] {strides = array<i32>} : memref<2x64x512xf32, #tpu.memory_space<vmem>>, vector<1x1x16xf32>,
        %get3A_326 = vector.shape_cast %get3A_325 : vector<1x1x16xf32> to vector<16xf32>
        %get3A_327 = arith.constant 1 : i32
        %get3A_328 = arith.constant 11 : i32
        %get3A_329 = arith.index_cast %get3A_327 : i32 to index
        %get3A_330 = arith.index_cast %get3A_328 : i32 to index
        %get3A_331 = arith.index_cast %multiple_of3A : i32 to index
        %get3A_332 = tpu.vector_load %arg6[%get3A_329, %get3A_330, %get3A_331] {strides = array<i32>} : memref<2x64x512xf32, #tpu.memory_space<vmem>>, vector<1x1x16xf32>,
        %get3A_333 = vector.shape_cast %get3A_332 : vector<1x1x16xf32> to vector<16xf32>
        %get3A_334 = arith.constant 1 : i32
        %get3A_335 = arith.constant 12 : i32
        %get3A_336 = arith.index_cast %get3A_334 : i32 to index
        %get3A_337 = arith.index_cast %get3A_335 : i32 to index
        %get3A_338 = arith.index_cast %multiple_of3A : i32 to index
        %get3A_339 = tpu.vector_load %arg6[%get3A_336, %get3A_337, %get3A_338] {strides = array<i32>} : memref<2x64x512xf32, #tpu.memory_space<vmem>>, vector<1x1x16xf32>,
        %get3A_340 = vector.shape_cast %get3A_339 : vector<1x1x16xf32> to vector<16xf32>
        %get3A_341 = arith.constant 1 : i32
        %get3A_342 = arith.constant 13 : i32
        %get3A_343 = arith.index_cast %get3A_341 : i32 to index
        %get3A_344 = arith.index_cast %get3A_342 : i32 to index
        %get3A_345 = arith.index_cast %multiple_of3A : i32 to index
        %get3A_346 = tpu.vector_load %arg6[%get3A_343, %get3A_344, %get3A_345] {strides = array<i32>} : memref<2x64x512xf32, #tpu.memory_space<vmem>>, vector<1x1x16xf32>,
        %get3A_347 = vector.shape_cast %get3A_346 : vector<1x1x16xf32> to vector<16xf32>
        %get3A_348 = arith.constant 1 : i32
        %get3A_349 = arith.constant 14 : i32
        %get3A_350 = arith.index_cast %get3A_348 : i32 to index
        %get3A_351 = arith.index_cast %get3A_349 : i32 to index
        %get3A_352 = arith.index_cast %multiple_of3A : i32 to index
        %get3A_353 = tpu.vector_load %arg6[%get3A_350, %get3A_351, %get3A_352] {strides = array<i32>} : memref<2x64x512xf32, #tpu.memory_space<vmem>>, vector<1x1x16xf32>,
        %get3A_354 = vector.shape_cast %get3A_353 : vector<1x1x16xf32> to vector<16xf32>
        %get3A_355 = arith.constant 1 : i32
        %get3A_356 = arith.constant 15 : i32
        %get3A_357 = arith.index_cast %get3A_355 : i32 to index
        %get3A_358 = arith.index_cast %get3A_356 : i32 to index
        %get3A_359 = arith.index_cast %multiple_of3A : i32 to index
        %get3A_360 = tpu.vector_load %arg6[%get3A_357, %get3A_358, %get3A_359] {strides = array<i32>} : memref<2x64x512xf32, #tpu.memory_space<vmem>>, vector<1x1x16xf32>,
        %get3A_361 = vector.shape_cast %get3A_360 : vector<1x1x16xf32> to vector<16xf32>
        %add3A_362 = arith.addf %get3A_312, %get3A_319 : vector<16xf32>
        %add3A_363 = arith.addf %get3A_326, %get3A_333 : vector<16xf32>
        %add3A_364 = arith.addf %get3A_340, %get3A_347 : vector<16xf32>
        %add3A_365 = arith.addf %get3A_354, %get3A_361 : vector<16xf32>
        %add3A_366 = arith.addf %add3A_362, %add3A_363 : vector<16xf32>
        %add3A_367 = arith.addf %add3A_364, %add3A_365 : vector<16xf32>
        %add3A_368 = arith.addf %add3A_366, %add3A_367 : vector<16xf32>
        %swap3A_369 = arith.constant 1 : i32
        %swap3A_370 = arith.constant 1 : i32
        %swap3A_371 = arith.index_cast %swap3A_369 : i32 to index
        %swap3A_372 = arith.index_cast %swap3A_370 : i32 to index
        %swap3A_373 = arith.index_cast %multiple_of3A : i32 to index
        %swap3A_374 = tpu.vector_load %arg7[%swap3A_371, %swap3A_372, %swap3A_373] {strides = array<i32>} : memref<2x8x512xf32, #tpu.memory_space<vmem>>, vector<1x1x16xf32>,
        %swap3A_375 = vector.shape_cast %swap3A_374 : vector<1x1x16xf32> to vector<16xf32>
        %swap3A_376 = vector.shape_cast %add3A_368 : vector<16xf32> to vector<1x1x16xf32>
        tpu.vector_store %arg7[%swap3A_371, %swap3A_372, %swap3A_373], %swap3A_376 {strides = array<i32>} : memref<2x8x512xf32, #tpu.memory_space<vmem>>, vector<1x1x16xf32>,
        %get3A_377 = arith.constant 1 : i32
        %get3A_378 = arith.constant 16 : i32
        %get3A_379 = arith.index_cast %get3A_377 : i32 to index
        %get3A_380 = arith.index_cast %get3A_378 : i32 to index
        %get3A_381 = arith.index_cast %multiple_of3A : i32 to index
        %get3A_382 = tpu.vector_load %arg6[%get3A_379, %get3A_380, %get3A_381] {strides = array<i32>} : memref<2x64x512xf32, #tpu.memory_space<vmem>>, vector<1x1x16xf32>,
        %get3A_383 = vector.shape_cast %get3A_382 : vector<1x1x16xf32> to vector<16xf32>
        %get3A_384 = arith.constant 1 : i32
        %get3A_385 = arith.constant 17 : i32
        %get3A_386 = arith.index_cast %get3A_384 : i32 to index
        %get3A_387 = arith.index_cast %get3A_385 : i32 to index
        %get3A_388 = arith.index_cast %multiple_of3A : i32 to index
        %get3A_389 = tpu.vector_load %arg6[%get3A_386, %get3A_387, %get3A_388] {strides = array<i32>} : memref<2x64x512xf32, #tpu.memory_space<vmem>>, vector<1x1x16xf32>,
        %get3A_390 = vector.shape_cast %get3A_389 : vector<1x1x16xf32> to vector<16xf32>
        %get3A_391 = arith.constant 1 : i32
        %get3A_392 = arith.constant 18 : i32
        %get3A_393 = arith.index_cast %get3A_391 : i32 to index
        %get3A_394 = arith.index_cast %get3A_392 : i32 to index
        %get3A_395 = arith.index_cast %multiple_of3A : i32 to index
        %get3A_396 = tpu.vector_load %arg6[%get3A_393, %get3A_394, %get3A_395] {strides = array<i32>} : memref<2x64x512xf32, #tpu.memory_space<vmem>>, vector<1x1x16xf32>,
        %get3A_397 = vector.shape_cast %get3A_396 : vector<1x1x16xf32> to vector<16xf32>
        %get3A_398 = arith.constant 1 : i32
        %get3A_399 = arith.constant 19 : i32
        %get3A_400 = arith.index_cast %get3A_398 : i32 to index
        %get3A_401 = arith.index_cast %get3A_399 : i32 to index
        %get3A_402 = arith.index_cast %multiple_of3A : i32 to index
        %get3A_403 = tpu.vector_load %arg6[%get3A_400, %get3A_401, %get3A_402] {strides = array<i32>} : memref<2x64x512xf32, #tpu.memory_space<vmem>>, vector<1x1x16xf32>,
        %get3A_404 = vector.shape_cast %get3A_403 : vector<1x1x16xf32> to vector<16xf32>
        %get3A_405 = arith.constant 1 : i32
        %get3A_406 = arith.constant 20 : i32
        %get3A_407 = arith.index_cast %get3A_405 : i32 to index
        %get3A_408 = arith.index_cast %get3A_406 : i32 to index
        %get3A_409 = arith.index_cast %multiple_of3A : i32 to index
        %get3A_410 = tpu.vector_load %arg6[%get3A_407, %get3A_408, %get3A_409] {strides = array<i32>} : memref<2x64x512xf32, #tpu.memory_space<vmem>>, vector<1x1x16xf32>,
        %get3A_411 = vector.shape_cast %get3A_410 : vector<1x1x16xf32> to vector<16xf32>
        %get3A_412 = arith.constant 1 : i32
        %get3A_413 = arith.constant 21 : i32
        %get3A_414 = arith.index_cast %get3A_412 : i32 to index
        %get3A_415 = arith.index_cast %get3A_413 : i32 to index
        %get3A_416 = arith.index_cast %multiple_of3A : i32 to index
        %get3A_417 = tpu.vector_load %arg6[%get3A_414, %get3A_415, %get3A_416] {strides = array<i32>} : memref<2x64x512xf32, #tpu.memory_space<vmem>>, vector<1x1x16xf32>,
        %get3A_418 = vector.shape_cast %get3A_417 : vector<1x1x16xf32> to vector<16xf32>
        %get3A_419 = arith.constant 1 : i32
        %get3A_420 = arith.constant 22 : i32
        %get3A_421 = arith.index_cast %get3A_419 : i32 to index
        %get3A_422 = arith.index_cast %get3A_420 : i32 to index
        %get3A_423 = arith.index_cast %multiple_of3A : i32 to index
        %get3A_424 = tpu.vector_load %arg6[%get3A_421, %get3A_422, %get3A_423] {strides = array<i32>} : memref<2x64x512xf32, #tpu.memory_space<vmem>>, vector<1x1x16xf32>,
        %get3A_425 = vector.shape_cast %get3A_424 : vector<1x1x16xf32> to vector<16xf32>
        %get3A_426 = arith.constant 1 : i32
        %get3A_427 = arith.constant 23 : i32
        %get3A_428 = arith.index_cast %get3A_426 : i32 to index
        %get3A_429 = arith.index_cast %get3A_427 : i32 to index
        %get3A_430 = arith.index_cast %multiple_of3A : i32 to index
        %get3A_431 = tpu.vector_load %arg6[%get3A_428, %get3A_429, %get3A_430] {strides = array<i32>} : memref<2x64x512xf32, #tpu.memory_space<vmem>>, vector<1x1x16xf32>,
        %get3A_432 = vector.shape_cast %get3A_431 : vector<1x1x16xf32> to vector<16xf32>
        %add3A_433 = arith.addf %get3A_383, %get3A_390 : vector<16xf32>
        %add3A_434 = arith.addf %get3A_397, %get3A_404 : vector<16xf32>
        %add3A_435 = arith.addf %get3A_411, %get3A_418 : vector<16xf32>
        %add3A_436 = arith.addf %get3A_425, %get3A_432 : vector<16xf32>
        %add3A_437 = arith.addf %add3A_433, %add3A_434 : vector<16xf32>
        %add3A_438 = arith.addf %add3A_435, %add3A_436 : vector<16xf32>
        %add3A_439 = arith.addf %add3A_437, %add3A_438 : vector<16xf32>
        %swap3A_440 = arith.constant 1 : i32
        %swap3A_441 = arith.constant 2 : i32
        %swap3A_442 = arith.index_cast %swap3A_440 : i32 to index
        %swap3A_443 = arith.index_cast %swap3A_441 : i32 to index
        %swap3A_444 = arith.index_cast %multiple_of3A : i32 to index
        %swap3A_445 = tpu.vector_load %arg7[%swap3A_442, %swap3A_443, %swap3A_444] {strides = array<i32>} : memref<2x8x512xf32, #tpu.memory_space<vmem>>, vector<1x1x16xf32>,
        %swap3A_446 = vector.shape_cast %swap3A_445 : vector<1x1x16xf32> to vector<16xf32>
        %swap3A_447 = vector.shape_cast %add3A_439 : vector<16xf32> to vector<1x1x16xf32>
        tpu.vector_store %arg7[%swap3A_442, %swap3A_443, %swap3A_444], %swap3A_447 {strides = array<i32>} : memref<2x8x512xf32, #tpu.memory_space<vmem>>, vector<1x1x16xf32>,
        %get3A_448 = arith.constant 1 : i32
        %get3A_449 = arith.constant 24 : i32
        %get3A_450 = arith.index_cast %get3A_448 : i32 to index
        %get3A_451 = arith.index_cast %get3A_449 : i32 to index
        %get3A_452 = arith.index_cast %multiple_of3A : i32 to index
        %get3A_453 = tpu.vector_load %arg6[%get3A_450, %get3A_451, %get3A_452] {strides = array<i32>} : memref<2x64x512xf32, #tpu.memory_space<vmem>>, vector<1x1x16xf32>,
        %get3A_454 = vector.shape_cast %get3A_453 : vector<1x1x16xf32> to vector<16xf32>
        %get3A_455 = arith.constant 1 : i32
        %get3A_456 = arith.constant 25 : i32
        %get3A_457 = arith.index_cast %get3A_455 : i32 to index
        %get3A_458 = arith.index_cast %get3A_456 : i32 to index
        %get3A_459 = arith.index_cast %multiple_of3A : i32 to index
        %get3A_460 = tpu.vector_load %arg6[%get3A_457, %get3A_458, %get3A_459] {strides = array<i32>} : memref<2x64x512xf32, #tpu.memory_space<vmem>>, vector<1x1x16xf32>,
        %get3A_461 = vector.shape_cast %get3A_460 : vector<1x1x16xf32> to vector<16xf32>
        %get3A_462 = arith.constant 1 : i32
        %get3A_463 = arith.constant 26 : i32
        %get3A_464 = arith.index_cast %get3A_462 : i32 to index
        %get3A_465 = arith.index_cast %get3A_463 : i32 to index
        %get3A_466 = arith.index_cast %multiple_of3A : i32 to index
        %get3A_467 = tpu.vector_load %arg6[%get3A_464, %get3A_465, %get3A_466] {strides = array<i32>} : memref<2x64x512xf32, #tpu.memory_space<vmem>>, vector<1x1x16xf32>,
        %get3A_468 = vector.shape_cast %get3A_467 : vector<1x1x16xf32> to vector<16xf32>
        %get3A_469 = arith.constant 1 : i32
        %get3A_470 = arith.constant 27 : i32
        %get3A_471 = arith.index_cast %get3A_469 : i32 to index
        %get3A_472 = arith.index_cast %get3A_470 : i32 to index
        %get3A_473 = arith.index_cast %multiple_of3A : i32 to index
        %get3A_474 = tpu.vector_load %arg6[%get3A_471, %get3A_472, %get3A_473] {strides = array<i32>} : memref<2x64x512xf32, #tpu.memory_space<vmem>>, vector<1x1x16xf32>,
        %get3A_475 = vector.shape_cast %get3A_474 : vector<1x1x16xf32> to vector<16xf32>
        %get3A_476 = arith.constant 1 : i32
        %get3A_477 = arith.constant 28 : i32
        %get3A_478 = arith.index_cast %get3A_476 : i32 to index
        %get3A_479 = arith.index_cast %get3A_477 : i32 to index
        %get3A_480 = arith.index_cast %multiple_of3A : i32 to index
        %get3A_481 = tpu.vector_load %arg6[%get3A_478, %get3A_479, %get3A_480] {strides = array<i32>} : memref<2x64x512xf32, #tpu.memory_space<vmem>>, vector<1x1x16xf32>,
        %get3A_482 = vector.shape_cast %get3A_481 : vector<1x1x16xf32> to vector<16xf32>
        %get3A_483 = arith.constant 1 : i32
        %get3A_484 = arith.constant 29 : i32
        %get3A_485 = arith.index_cast %get3A_483 : i32 to index
        %get3A_486 = arith.index_cast %get3A_484 : i32 to index
        %get3A_487 = arith.index_cast %multiple_of3A : i32 to index
        %get3A_488 = tpu.vector_load %arg6[%get3A_485, %get3A_486, %get3A_487] {strides = array<i32>} : memref<2x64x512xf32, #tpu.memory_space<vmem>>, vector<1x1x16xf32>,
        %get3A_489 = vector.shape_cast %get3A_488 : vector<1x1x16xf32> to vector<16xf32>
        %get3A_490 = arith.constant 1 : i32
        %get3A_491 = arith.constant 30 : i32
        %get3A_492 = arith.index_cast %get3A_490 : i32 to index
        %get3A_493 = arith.index_cast %get3A_491 : i32 to index
        %get3A_494 = arith.index_cast %multiple_of3A : i32 to index
        %get3A_495 = tpu.vector_load %arg6[%get3A_492, %get3A_493, %get3A_494] {strides = array<i32>} : memref<2x64x512xf32, #tpu.memory_space<vmem>>, vector<1x1x16xf32>,
        %get3A_496 = vector.shape_cast %get3A_495 : vector<1x1x16xf32> to vector<16xf32>
        %get3A_497 = arith.constant 1 : i32
        %get3A_498 = arith.constant 31 : i32
        %get3A_499 = arith.index_cast %get3A_497 : i32 to index
        %get3A_500 = arith.index_cast %get3A_498 : i32 to index
        %get3A_501 = arith.index_cast %multiple_of3A : i32 to index
        %get3A_502 = tpu.vector_load %arg6[%get3A_499, %get3A_500, %get3A_501] {strides = array<i32>} : memref<2x64x512xf32, #tpu.memory_space<vmem>>, vector<1x1x16xf32>,
        %get3A_503 = vector.shape_cast %get3A_502 : vector<1x1x16xf32> to vector<16xf32>
        %add3A_504 = arith.addf %get3A_454, %get3A_461 : vector<16xf32>
        %add3A_505 = arith.addf %get3A_468, %get3A_475 : vector<16xf32>
        %add3A_506 = arith.addf %get3A_482, %get3A_489 : vector<16xf32>
        %add3A_507 = arith.addf %get3A_496, %get3A_503 : vector<16xf32>
        %add3A_508 = arith.addf %add3A_504, %add3A_505 : vector<16xf32>
        %add3A_509 = arith.addf %add3A_506, %add3A_507 : vector<16xf32>
        %add3A_510 = arith.addf %add3A_508, %add3A_509 : vector<16xf32>
        %swap3A_511 = arith.constant 1 : i32
        %swap3A_512 = arith.constant 3 : i32
        %swap3A_513 = arith.index_cast %swap3A_511 : i32 to index
        %swap3A_514 = arith.index_cast %swap3A_512 : i32 to index
        %swap3A_515 = arith.index_cast %multiple_of3A : i32 to index
        %swap3A_516 = tpu.vector_load %arg7[%swap3A_513, %swap3A_514, %swap3A_515] {strides = array<i32>} : memref<2x8x512xf32, #tpu.memory_space<vmem>>, vector<1x1x16xf32>,
        %swap3A_517 = vector.shape_cast %swap3A_516 : vector<1x1x16xf32> to vector<16xf32>
        %swap3A_518 = vector.shape_cast %add3A_510 : vector<16xf32> to vector<1x1x16xf32>
        tpu.vector_store %arg7[%swap3A_513, %swap3A_514, %swap3A_515], %swap3A_518 {strides = array<i32>} : memref<2x8x512xf32, #tpu.memory_space<vmem>>, vector<1x1x16xf32>,
        %get3A_519 = arith.constant 1 : i32
        %get3A_520 = arith.constant 32 : i32
        %get3A_521 = arith.index_cast %get3A_519 : i32 to index
        %get3A_522 = arith.index_cast %get3A_520 : i32 to index
        %get3A_523 = arith.index_cast %multiple_of3A : i32 to index
        %get3A_524 = tpu.vector_load %arg6[%get3A_521, %get3A_522, %get3A_523] {strides = array<i32>} : memref<2x64x512xf32, #tpu.memory_space<vmem>>, vector<1x1x16xf32>,
        %get3A_525 = vector.shape_cast %get3A_524 : vector<1x1x16xf32> to vector<16xf32>
        %get3A_526 = arith.constant 1 : i32
        %get3A_527 = arith.constant 33 : i32
        %get3A_528 = arith.index_cast %get3A_526 : i32 to index
        %get3A_529 = arith.index_cast %get3A_527 : i32 to index
        %get3A_530 = arith.index_cast %multiple_of3A : i32 to index
        %get3A_531 = tpu.vector_load %arg6[%get3A_528, %get3A_529, %get3A_530] {strides = array<i32>} : memref<2x64x512xf32, #tpu.memory_space<vmem>>, vector<1x1x16xf32>,
        %get3A_532 = vector.shape_cast %get3A_531 : vector<1x1x16xf32> to vector<16xf32>
        %get3A_533 = arith.constant 1 : i32
        %get3A_534 = arith.constant 34 : i32
        %get3A_535 = arith.index_cast %get3A_533 : i32 to index
        %get3A_536 = arith.index_cast %get3A_534 : i32 to index
        %get3A_537 = arith.index_cast %multiple_of3A : i32 to index
        %get3A_538 = tpu.vector_load %arg6[%get3A_535, %get3A_536, %get3A_537] {strides = array<i32>} : memref<2x64x512xf32, #tpu.memory_space<vmem>>, vector<1x1x16xf32>,
        %get3A_539 = vector.shape_cast %get3A_538 : vector<1x1x16xf32> to vector<16xf32>
        %get3A_540 = arith.constant 1 : i32
        %get3A_541 = arith.constant 35 : i32
        %get3A_542 = arith.index_cast %get3A_540 : i32 to index
        %get3A_543 = arith.index_cast %get3A_541 : i32 to index
        %get3A_544 = arith.index_cast %multiple_of3A : i32 to index
        %get3A_545 = tpu.vector_load %arg6[%get3A_542, %get3A_543, %get3A_544] {strides = array<i32>} : memref<2x64x512xf32, #tpu.memory_space<vmem>>, vector<1x1x16xf32>,
        %get3A_546 = vector.shape_cast %get3A_545 : vector<1x1x16xf32> to vector<16xf32>
        %get3A_547 = arith.constant 1 : i32
        %get3A_548 = arith.constant 36 : i32
        %get3A_549 = arith.index_cast %get3A_547 : i32 to index
        %get3A_550 = arith.index_cast %get3A_548 : i32 to index
        %get3A_551 = arith.index_cast %multiple_of3A : i32 to index
        %get3A_552 = tpu.vector_load %arg6[%get3A_549, %get3A_550, %get3A_551] {strides = array<i32>} : memref<2x64x512xf32, #tpu.memory_space<vmem>>, vector<1x1x16xf32>,
        %get3A_553 = vector.shape_cast %get3A_552 : vector<1x1x16xf32> to vector<16xf32>
        %get3A_554 = arith.constant 1 : i32
        %get3A_555 = arith.constant 37 : i32
        %get3A_556 = arith.index_cast %get3A_554 : i32 to index
        %get3A_557 = arith.index_cast %get3A_555 : i32 to index
        %get3A_558 = arith.index_cast %multiple_of3A : i32 to index
        %get3A_559 = tpu.vector_load %arg6[%get3A_556, %get3A_557, %get3A_558] {strides = array<i32>} : memref<2x64x512xf32, #tpu.memory_space<vmem>>, vector<1x1x16xf32>,
        %get3A_560 = vector.shape_cast %get3A_559 : vector<1x1x16xf32> to vector<16xf32>
        %get3A_561 = arith.constant 1 : i32
        %get3A_562 = arith.constant 38 : i32
        %get3A_563 = arith.index_cast %get3A_561 : i32 to index
        %get3A_564 = arith.index_cast %get3A_562 : i32 to index
        %get3A_565 = arith.index_cast %multiple_of3A : i32 to index
        %get3A_566 = tpu.vector_load %arg6[%get3A_563, %get3A_564, %get3A_565] {strides = array<i32>} : memref<2x64x512xf32, #tpu.memory_space<vmem>>, vector<1x1x16xf32>,
        %get3A_567 = vector.shape_cast %get3A_566 : vector<1x1x16xf32> to vector<16xf32>
        %get3A_568 = arith.constant 1 : i32
        %get3A_569 = arith.constant 39 : i32
        %get3A_570 = arith.index_cast %get3A_568 : i32 to index
        %get3A_571 = arith.index_cast %get3A_569 : i32 to index
        %get3A_572 = arith.index_cast %multiple_of3A : i32 to index
        %get3A_573 = tpu.vector_load %arg6[%get3A_570, %get3A_571, %get3A_572] {strides = array<i32>} : memref<2x64x512xf32, #tpu.memory_space<vmem>>, vector<1x1x16xf32>,
        %get3A_574 = vector.shape_cast %get3A_573 : vector<1x1x16xf32> to vector<16xf32>
        %add3A_575 = arith.addf %get3A_525, %get3A_532 : vector<16xf32>
        %add3A_576 = arith.addf %get3A_539, %get3A_546 : vector<16xf32>
        %add3A_577 = arith.addf %get3A_553, %get3A_560 : vector<16xf32>
        %add3A_578 = arith.addf %get3A_567, %get3A_574 : vector<16xf32>
        %add3A_579 = arith.addf %add3A_575, %add3A_576 : vector<16xf32>
        %add3A_580 = arith.addf %add3A_577, %add3A_578 : vector<16xf32>
        %add3A_581 = arith.addf %add3A_579, %add3A_580 : vector<16xf32>
        %swap3A_582 = arith.constant 1 : i32
        %swap3A_583 = arith.constant 4 : i32
        %swap3A_584 = arith.index_cast %swap3A_582 : i32 to index
        %swap3A_585 = arith.index_cast %swap3A_583 : i32 to index
        %swap3A_586 = arith.index_cast %multiple_of3A : i32 to index
        %swap3A_587 = tpu.vector_load %arg7[%swap3A_584, %swap3A_585, %swap3A_586] {strides = array<i32>} : memref<2x8x512xf32, #tpu.memory_space<vmem>>, vector<1x1x16xf32>,
        %swap3A_588 = vector.shape_cast %swap3A_587 : vector<1x1x16xf32> to vector<16xf32>
        %swap3A_589 = vector.shape_cast %add3A_581 : vector<16xf32> to vector<1x1x16xf32>
        tpu.vector_store %arg7[%swap3A_584, %swap3A_585, %swap3A_586], %swap3A_589 {strides = array<i32>} : memref<2x8x512xf32, #tpu.memory_space<vmem>>, vector<1x1x16xf32>,
        %get3A_590 = arith.constant 1 : i32
        %get3A_591 = arith.constant 40 : i32
        %get3A_592 = arith.index_cast %get3A_590 : i32 to index
        %get3A_593 = arith.index_cast %get3A_591 : i32 to index
        %get3A_594 = arith.index_cast %multiple_of3A : i32 to index
        %get3A_595 = tpu.vector_load %arg6[%get3A_592, %get3A_593, %get3A_594] {strides = array<i32>} : memref<2x64x512xf32, #tpu.memory_space<vmem>>, vector<1x1x16xf32>,
        %get3A_596 = vector.shape_cast %get3A_595 : vector<1x1x16xf32> to vector<16xf32>
        %get3A_597 = arith.constant 1 : i32
        %get3A_598 = arith.constant 41 : i32
        %get3A_599 = arith.index_cast %get3A_597 : i32 to index
        %get3A_600 = arith.index_cast %get3A_598 : i32 to index
        %get3A_601 = arith.index_cast %multiple_of3A : i32 to index
        %get3A_602 = tpu.vector_load %arg6[%get3A_599, %get3A_600, %get3A_601] {strides = array<i32>} : memref<2x64x512xf32, #tpu.memory_space<vmem>>, vector<1x1x16xf32>,
        %get3A_603 = vector.shape_cast %get3A_602 : vector<1x1x16xf32> to vector<16xf32>
        %get3A_604 = arith.constant 1 : i32
        %get3A_605 = arith.constant 42 : i32
        %get3A_606 = arith.index_cast %get3A_604 : i32 to index
        %get3A_607 = arith.index_cast %get3A_605 : i32 to index
        %get3A_608 = arith.index_cast %multiple_of3A : i32 to index
        %get3A_609 = tpu.vector_load %arg6[%get3A_606, %get3A_607, %get3A_608] {strides = array<i32>} : memref<2x64x512xf32, #tpu.memory_space<vmem>>, vector<1x1x16xf32>,
        %get3A_610 = vector.shape_cast %get3A_609 : vector<1x1x16xf32> to vector<16xf32>
        %get3A_611 = arith.constant 1 : i32
        %get3A_612 = arith.constant 43 : i32
        %get3A_613 = arith.index_cast %get3A_611 : i32 to index
        %get3A_614 = arith.index_cast %get3A_612 : i32 to index
        %get3A_615 = arith.index_cast %multiple_of3A : i32 to index
        %get3A_616 = tpu.vector_load %arg6[%get3A_613, %get3A_614, %get3A_615] {strides = array<i32>} : memref<2x64x512xf32, #tpu.memory_space<vmem>>, vector<1x1x16xf32>,
        %get3A_617 = vector.shape_cast %get3A_616 : vector<1x1x16xf32> to vector<16xf32>
        %get3A_618 = arith.constant 1 : i32
        %get3A_619 = arith.constant 44 : i32
        %get3A_620 = arith.index_cast %get3A_618 : i32 to index
        %get3A_621 = arith.index_cast %get3A_619 : i32 to index
        %get3A_622 = arith.index_cast %multiple_of3A : i32 to index
        %get3A_623 = tpu.vector_load %arg6[%get3A_620, %get3A_621, %get3A_622] {strides = array<i32>} : memref<2x64x512xf32, #tpu.memory_space<vmem>>, vector<1x1x16xf32>,
        %get3A_624 = vector.shape_cast %get3A_623 : vector<1x1x16xf32> to vector<16xf32>
        %get3A_625 = arith.constant 1 : i32
        %get3A_626 = arith.constant 45 : i32
        %get3A_627 = arith.index_cast %get3A_625 : i32 to index
        %get3A_628 = arith.index_cast %get3A_626 : i32 to index
        %get3A_629 = arith.index_cast %multiple_of3A : i32 to index
        %get3A_630 = tpu.vector_load %arg6[%get3A_627, %get3A_628, %get3A_629] {strides = array<i32>} : memref<2x64x512xf32, #tpu.memory_space<vmem>>, vector<1x1x16xf32>,
        %get3A_631 = vector.shape_cast %get3A_630 : vector<1x1x16xf32> to vector<16xf32>
        %get3A_632 = arith.constant 1 : i32
        %get3A_633 = arith.constant 46 : i32
        %get3A_634 = arith.index_cast %get3A_632 : i32 to index
        %get3A_635 = arith.index_cast %get3A_633 : i32 to index
        %get3A_636 = arith.index_cast %multiple_of3A : i32 to index
        %get3A_637 = tpu.vector_load %arg6[%get3A_634, %get3A_635, %get3A_636] {strides = array<i32>} : memref<2x64x512xf32, #tpu.memory_space<vmem>>, vector<1x1x16xf32>,
        %get3A_638 = vector.shape_cast %get3A_637 : vector<1x1x16xf32> to vector<16xf32>
        %get3A_639 = arith.constant 1 : i32
        %get3A_640 = arith.constant 47 : i32
        %get3A_641 = arith.index_cast %get3A_639 : i32 to index
        %get3A_642 = arith.index_cast %get3A_640 : i32 to index
        %get3A_643 = arith.index_cast %multiple_of3A : i32 to index
        %get3A_644 = tpu.vector_load %arg6[%get3A_641, %get3A_642, %get3A_643] {strides = array<i32>} : memref<2x64x512xf32, #tpu.memory_space<vmem>>, vector<1x1x16xf32>,
        %get3A_645 = vector.shape_cast %get3A_644 : vector<1x1x16xf32> to vector<16xf32>
        %add3A_646 = arith.addf %get3A_596, %get3A_603 : vector<16xf32>
        %add3A_647 = arith.addf %get3A_610, %get3A_617 : vector<16xf32>
        %add3A_648 = arith.addf %get3A_624, %get3A_631 : vector<16xf32>
        %add3A_649 = arith.addf %get3A_638, %get3A_645 : vector<16xf32>
        %add3A_650 = arith.addf %add3A_646, %add3A_647 : vector<16xf32>
        %add3A_651 = arith.addf %add3A_648, %add3A_649 : vector<16xf32>
        %add3A_652 = arith.addf %add3A_650, %add3A_651 : vector<16xf32>
        %swap3A_653 = arith.constant 1 : i32
        %swap3A_654 = arith.constant 5 : i32
        %swap3A_655 = arith.index_cast %swap3A_653 : i32 to index
        %swap3A_656 = arith.index_cast %swap3A_654 : i32 to index
        %swap3A_657 = arith.index_cast %multiple_of3A : i32 to index
        %swap3A_658 = tpu.vector_load %arg7[%swap3A_655, %swap3A_656, %swap3A_657] {strides = array<i32>} : memref<2x8x512xf32, #tpu.memory_space<vmem>>, vector<1x1x16xf32>,
        %swap3A_659 = vector.shape_cast %swap3A_658 : vector<1x1x16xf32> to vector<16xf32>
        %swap3A_660 = vector.shape_cast %add3A_652 : vector<16xf32> to vector<1x1x16xf32>
        tpu.vector_store %arg7[%swap3A_655, %swap3A_656, %swap3A_657], %swap3A_660 {strides = array<i32>} : memref<2x8x512xf32, #tpu.memory_space<vmem>>, vector<1x1x16xf32>,
        %get3A_661 = arith.constant 1 : i32
        %get3A_662 = arith.constant 48 : i32
        %get3A_663 = arith.index_cast %get3A_661 : i32 to index
        %get3A_664 = arith.index_cast %get3A_662 : i32 to index
        %get3A_665 = arith.index_cast %multiple_of3A : i32 to index
        %get3A_666 = tpu.vector_load %arg6[%get3A_663, %get3A_664, %get3A_665] {strides = array<i32>} : memref<2x64x512xf32, #tpu.memory_space<vmem>>, vector<1x1x16xf32>,
        %get3A_667 = vector.shape_cast %get3A_666 : vector<1x1x16xf32> to vector<16xf32>
        %get3A_668 = arith.constant 1 : i32
        %get3A_669 = arith.constant 49 : i32
        %get3A_670 = arith.index_cast %get3A_668 : i32 to index
        %get3A_671 = arith.index_cast %get3A_669 : i32 to index
        %get3A_672 = arith.index_cast %multiple_of3A : i32 to index
        %get3A_673 = tpu.vector_load %arg6[%get3A_670, %get3A_671, %get3A_672] {strides = array<i32>} : memref<2x64x512xf32, #tpu.memory_space<vmem>>, vector<1x1x16xf32>,
        %get3A_674 = vector.shape_cast %get3A_673 : vector<1x1x16xf32> to vector<16xf32>
        %get3A_675 = arith.constant 1 : i32
        %get3A_676 = arith.constant 50 : i32
        %get3A_677 = arith.index_cast %get3A_675 : i32 to index
        %get3A_678 = arith.index_cast %get3A_676 : i32 to index
        %get3A_679 = arith.index_cast %multiple_of3A : i32 to index
        %get3A_680 = tpu.vector_load %arg6[%get3A_677, %get3A_678, %get3A_679] {strides = array<i32>} : memref<2x64x512xf32, #tpu.memory_space<vmem>>, vector<1x1x16xf32>,
        %get3A_681 = vector.shape_cast %get3A_680 : vector<1x1x16xf32> to vector<16xf32>
        %get3A_682 = arith.constant 1 : i32
        %get3A_683 = arith.constant 51 : i32
        %get3A_684 = arith.index_cast %get3A_682 : i32 to index
        %get3A_685 = arith.index_cast %get3A_683 : i32 to index
        %get3A_686 = arith.index_cast %multiple_of3A : i32 to index
        %get3A_687 = tpu.vector_load %arg6[%get3A_684, %get3A_685, %get3A_686] {strides = array<i32>} : memref<2x64x512xf32, #tpu.memory_space<vmem>>, vector<1x1x16xf32>,
        %get3A_688 = vector.shape_cast %get3A_687 : vector<1x1x16xf32> to vector<16xf32>
        %get3A_689 = arith.constant 1 : i32
        %get3A_690 = arith.constant 52 : i32
        %get3A_691 = arith.index_cast %get3A_689 : i32 to index
        %get3A_692 = arith.index_cast %get3A_690 : i32 to index
        %get3A_693 = arith.index_cast %multiple_of3A : i32 to index
        %get3A_694 = tpu.vector_load %arg6[%get3A_691, %get3A_692, %get3A_693] {strides = array<i32>} : memref<2x64x512xf32, #tpu.memory_space<vmem>>, vector<1x1x16xf32>,
        %get3A_695 = vector.shape_cast %get3A_694 : vector<1x1x16xf32> to vector<16xf32>
        %get3A_696 = arith.constant 1 : i32
        %get3A_697 = arith.constant 53 : i32
        %get3A_698 = arith.index_cast %get3A_696 : i32 to index
        %get3A_699 = arith.index_cast %get3A_697 : i32 to index
        %get3A_700 = arith.index_cast %multiple_of3A : i32 to index
        %get3A_701 = tpu.vector_load %arg6[%get3A_698, %get3A_699, %get3A_700] {strides = array<i32>} : memref<2x64x512xf32, #tpu.memory_space<vmem>>, vector<1x1x16xf32>,
        %get3A_702 = vector.shape_cast %get3A_701 : vector<1x1x16xf32> to vector<16xf32>
        %get3A_703 = arith.constant 1 : i32
        %get3A_704 = arith.constant 54 : i32
        %get3A_705 = arith.index_cast %get3A_703 : i32 to index
        %get3A_706 = arith.index_cast %get3A_704 : i32 to index
        %get3A_707 = arith.index_cast %multiple_of3A : i32 to index
        %get3A_708 = tpu.vector_load %arg6[%get3A_705, %get3A_706, %get3A_707] {strides = array<i32>} : memref<2x64x512xf32, #tpu.memory_space<vmem>>, vector<1x1x16xf32>,
        %get3A_709 = vector.shape_cast %get3A_708 : vector<1x1x16xf32> to vector<16xf32>
        %get3A_710 = arith.constant 1 : i32
        %get3A_711 = arith.constant 55 : i32
        %get3A_712 = arith.index_cast %get3A_710 : i32 to index
        %get3A_713 = arith.index_cast %get3A_711 : i32 to index
        %get3A_714 = arith.index_cast %multiple_of3A : i32 to index
        %get3A_715 = tpu.vector_load %arg6[%get3A_712, %get3A_713, %get3A_714] {strides = array<i32>} : memref<2x64x512xf32, #tpu.memory_space<vmem>>, vector<1x1x16xf32>,
        %get3A_716 = vector.shape_cast %get3A_715 : vector<1x1x16xf32> to vector<16xf32>
        %add3A_717 = arith.addf %get3A_667, %get3A_674 : vector<16xf32>
        %add3A_718 = arith.addf %get3A_681, %get3A_688 : vector<16xf32>
        %add3A_719 = arith.addf %get3A_695, %get3A_702 : vector<16xf32>
        %add3A_720 = arith.addf %get3A_709, %get3A_716 : vector<16xf32>
        %add3A_721 = arith.addf %add3A_717, %add3A_718 : vector<16xf32>
        %add3A_722 = arith.addf %add3A_719, %add3A_720 : vector<16xf32>
        %add3A_723 = arith.addf %add3A_721, %add3A_722 : vector<16xf32>
        %swap3A_724 = arith.constant 1 : i32
        %swap3A_725 = arith.constant 6 : i32
        %swap3A_726 = arith.index_cast %swap3A_724 : i32 to index
        %swap3A_727 = arith.index_cast %swap3A_725 : i32 to index
        %swap3A_728 = arith.index_cast %multiple_of3A : i32 to index
        %swap3A_729 = tpu.vector_load %arg7[%swap3A_726, %swap3A_727, %swap3A_728] {strides = array<i32>} : memref<2x8x512xf32, #tpu.memory_space<vmem>>, vector<1x1x16xf32>,
        %swap3A_730 = vector.shape_cast %swap3A_729 : vector<1x1x16xf32> to vector<16xf32>
        %swap3A_731 = vector.shape_cast %add3A_723 : vector<16xf32> to vector<1x1x16xf32>
        tpu.vector_store %arg7[%swap3A_726, %swap3A_727, %swap3A_728], %swap3A_731 {strides = array<i32>} : memref<2x8x512xf32, #tpu.memory_space<vmem>>, vector<1x1x16xf32>,
        %get3A_732 = arith.constant 1 : i32
        %get3A_733 = arith.constant 56 : i32
        %get3A_734 = arith.index_cast %get3A_732 : i32 to index
        %get3A_735 = arith.index_cast %get3A_733 : i32 to index
        %get3A_736 = arith.index_cast %multiple_of3A : i32 to index
        %get3A_737 = tpu.vector_load %arg6[%get3A_734, %get3A_735, %get3A_736] {strides = array<i32>} : memref<2x64x512xf32, #tpu.memory_space<vmem>>, vector<1x1x16xf32>,
        %get3A_738 = vector.shape_cast %get3A_737 : vector<1x1x16xf32> to vector<16xf32>
        %get3A_739 = arith.constant 1 : i32
        %get3A_740 = arith.constant 57 : i32
        %get3A_741 = arith.index_cast %get3A_739 : i32 to index
        %get3A_742 = arith.index_cast %get3A_740 : i32 to index
        %get3A_743 = arith.index_cast %multiple_of3A : i32 to index
        %get3A_744 = tpu.vector_load %arg6[%get3A_741, %get3A_742, %get3A_743] {strides = array<i32>} : memref<2x64x512xf32, #tpu.memory_space<vmem>>, vector<1x1x16xf32>,
        %get3A_745 = vector.shape_cast %get3A_744 : vector<1x1x16xf32> to vector<16xf32>
        %get3A_746 = arith.constant 1 : i32
        %get3A_747 = arith.constant 58 : i32
        %get3A_748 = arith.index_cast %get3A_746 : i32 to index
        %get3A_749 = arith.index_cast %get3A_747 : i32 to index
        %get3A_750 = arith.index_cast %multiple_of3A : i32 to index
        %get3A_751 = tpu.vector_load %arg6[%get3A_748, %get3A_749, %get3A_750] {strides = array<i32>} : memref<2x64x512xf32, #tpu.memory_space<vmem>>, vector<1x1x16xf32>,
        %get3A_752 = vector.shape_cast %get3A_751 : vector<1x1x16xf32> to vector<16xf32>
        %get3A_753 = arith.constant 1 : i32
        %get3A_754 = arith.constant 59 : i32
        %get3A_755 = arith.index_cast %get3A_753 : i32 to index
        %get3A_756 = arith.index_cast %get3A_754 : i32 to index
        %get3A_757 = arith.index_cast %multiple_of3A : i32 to index
        %get3A_758 = tpu.vector_load %arg6[%get3A_755, %get3A_756, %get3A_757] {strides = array<i32>} : memref<2x64x512xf32, #tpu.memory_space<vmem>>, vector<1x1x16xf32>,
        %get3A_759 = vector.shape_cast %get3A_758 : vector<1x1x16xf32> to vector<16xf32>
        %get3A_760 = arith.constant 1 : i32
        %get3A_761 = arith.constant 60 : i32
        %get3A_762 = arith.index_cast %get3A_760 : i32 to index
        %get3A_763 = arith.index_cast %get3A_761 : i32 to index
        %get3A_764 = arith.index_cast %multiple_of3A : i32 to index
        %get3A_765 = tpu.vector_load %arg6[%get3A_762, %get3A_763, %get3A_764] {strides = array<i32>} : memref<2x64x512xf32, #tpu.memory_space<vmem>>, vector<1x1x16xf32>,
        %get3A_766 = vector.shape_cast %get3A_765 : vector<1x1x16xf32> to vector<16xf32>
        %get3A_767 = arith.constant 1 : i32
        %get3A_768 = arith.constant 61 : i32
        %get3A_769 = arith.index_cast %get3A_767 : i32 to index
        %get3A_770 = arith.index_cast %get3A_768 : i32 to index
        %get3A_771 = arith.index_cast %multiple_of3A : i32 to index
        %get3A_772 = tpu.vector_load %arg6[%get3A_769, %get3A_770, %get3A_771] {strides = array<i32>} : memref<2x64x512xf32, #tpu.memory_space<vmem>>, vector<1x1x16xf32>,
        %get3A_773 = vector.shape_cast %get3A_772 : vector<1x1x16xf32> to vector<16xf32>
        %get3A_774 = arith.constant 1 : i32
        %get3A_775 = arith.constant 62 : i32
        %get3A_776 = arith.index_cast %get3A_774 : i32 to index
        %get3A_777 = arith.index_cast %get3A_775 : i32 to index
        %get3A_778 = arith.index_cast %multiple_of3A : i32 to index
        %get3A_779 = tpu.vector_load %arg6[%get3A_776, %get3A_777, %get3A_778] {strides = array<i32>} : memref<2x64x512xf32, #tpu.memory_space<vmem>>, vector<1x1x16xf32>,
        %get3A_780 = vector.shape_cast %get3A_779 : vector<1x1x16xf32> to vector<16xf32>
        %get3A_781 = arith.constant 1 : i32
        %get3A_782 = arith.constant 63 : i32
        %get3A_783 = arith.index_cast %get3A_781 : i32 to index
        %get3A_784 = arith.index_cast %get3A_782 : i32 to index
        %get3A_785 = arith.index_cast %multiple_of3A : i32 to index
        %get3A_786 = tpu.vector_load %arg6[%get3A_783, %get3A_784, %get3A_785] {strides = array<i32>} : memref<2x64x512xf32, #tpu.memory_space<vmem>>, vector<1x1x16xf32>,
        %get3A_787 = vector.shape_cast %get3A_786 : vector<1x1x16xf32> to vector<16xf32>
        %add3A_788 = arith.addf %get3A_738, %get3A_745 : vector<16xf32>
        %add3A_789 = arith.addf %get3A_752, %get3A_759 : vector<16xf32>
        %add3A_790 = arith.addf %get3A_766, %get3A_773 : vector<16xf32>
        %add3A_791 = arith.addf %get3A_780, %get3A_787 : vector<16xf32>
        %add3A_792 = arith.addf %add3A_788, %add3A_789 : vector<16xf32>
        %add3A_793 = arith.addf %add3A_790, %add3A_791 : vector<16xf32>
        %add3A_794 = arith.addf %add3A_792, %add3A_793 : vector<16xf32>
        %swap3A_795 = arith.constant 1 : i32
        %swap3A_796 = arith.constant 7 : i32
        %swap3A_797 = arith.index_cast %swap3A_795 : i32 to index
        %swap3A_798 = arith.index_cast %swap3A_796 : i32 to index
        %swap3A_799 = arith.index_cast %multiple_of3A : i32 to index
        %swap3A_800 = tpu.vector_load %arg7[%swap3A_797, %swap3A_798, %swap3A_799] {strides = array<i32>} : memref<2x8x512xf32, #tpu.memory_space<vmem>>, vector<1x1x16xf32>,
        %swap3A_801 = vector.shape_cast %swap3A_800 : vector<1x1x16xf32> to vector<16xf32>
        %swap3A_802 = vector.shape_cast %add3A_794 : vector<16xf32> to vector<1x1x16xf32>
        tpu.vector_store %arg7[%swap3A_797, %swap3A_798, %swap3A_799], %swap3A_802 {strides = array<i32>} : memref<2x8x512xf32, #tpu.memory_space<vmem>>, vector<1x1x16xf32>,
      }
      %scan3A_213 = arith.constant 32 : i32
      %mul3A_214 = arith.constant 32 : i32
      %mul3A_215 = arith.muli %add3A_180, %mul3A_214 : i32
      %add3A_216 = arith.addi %add3A, %mul3A_215 : i32
      %min3A_217 = arith.constant 2499 : i32
      %min3A_218 = arith.minsi %add3A_216, %min3A_217 : i32
      %mul3A_219 = arith.constant 8 : i32
      %mul3A_220 = arith.muli %min3A_218, %mul3A_219 : i32
      %dma_start3A_221 = arith.constant 1 : i32
      %dma_start3A_222 = arith.constant 0 : i32
      %dma_start3A_223 = arith.constant 0 : i32
      %dma_start3A_224 = tpu.memref_slice %arg7[%dma_start3A_221, %dma_start3A_222, %dma_start3A_223] : memref<2x8x512xf32, #tpu.memory_space<vmem>> -> memref<1x8x512xf32, #tpu.memory_space<vmem>>
      %dma_start3A_225 = tpu.memref_squeeze %dma_start3A_224 : memref<1x8x512xf32, #tpu.memory_space<vmem>> -> memref<8x512xf32, #tpu.memory_space<vmem>>
      %dma_start3A_226 = arith.constant 0 : i32
      %dma_start3A_227 = tpu.memref_slice %arg4[%mul3A_220, %dma_start3A_226] : memref<20000x512xf32, #tpu.memory_space<hbm>> -> memref<8x512xf32, #tpu.memory_space<hbm>>
      %dma_start3A_228 = arith.constant 0 : i32
      %dma_start3A_229 = tpu.memref_slice %arg4[%mul3A_220, %dma_start3A_228] : memref<20000x512xf32, #tpu.memory_space<hbm>> -> memref<8x512xf32, #tpu.memory_space<hbm>>
      %dma_start3A_230 = arith.constant 0 : i32
      %dma_start3A_231 = arith.constant 0 : i32
      %dma_start3A_232 = tpu.memref_slice %arg7[%dma_start3A_221, %dma_start3A_230, %dma_start3A_231] : memref<2x8x512xf32, #tpu.memory_space<vmem>> -> memref<1x8x512xf32, #tpu.memory_space<vmem>>
      %dma_start3A_233 = tpu.memref_squeeze %dma_start3A_232 : memref<1x8x512xf32, #tpu.memory_space<vmem>> -> memref<8x512xf32, #tpu.memory_space<vmem>>
      tpu.enqueue_dma source(%dma_start3A_233 : memref<8x512xf32, #tpu.memory_space<vmem>>) target(%dma_start3A_229 : memref<8x512xf32, #tpu.memory_space<hbm>>) target_semaphore(%arg13 : memref<!tpu.dma_semaphore, #tpu.memory_space<semaphore_mem>>)
    }
    %scan3A_59 = arith.constant 40 : i32
    %add3A_60 = arith.constant 2496 : i32
    %add3A_61 = arith.addi %add3A, %add3A_60 : i32
    %min3A_62 = arith.constant 2499 : i32
    %min3A_63 = arith.minsi %add3A_61, %min3A_62 : i32
    %mul3A_64 = arith.constant 8 : i32
    %mul3A_65 = arith.muli %min3A_63, %mul3A_64 : i32
    %dma_wait3A_66 = arith.constant 0 : i32
    %dma_wait3A_67 = arith.constant 0 : i32
    %dma_wait3A_68 = arith.constant 0 : i32
    %dma_wait3A_69 = tpu.memref_slice %arg7[%dma_wait3A_66, %dma_wait3A_67, %dma_wait3A_68] : memref<2x8x512xf32, #tpu.memory_space<vmem>> -> memref<1x8x512xf32, #tpu.memory_space<vmem>>
    %dma_wait3A_70 = tpu.memref_squeeze %dma_wait3A_69 : memref<1x8x512xf32, #tpu.memory_space<vmem>> -> memref<8x512xf32, #tpu.memory_space<vmem>>
    %dma_wait3A_71 = arith.constant 0 : i32
    %dma_wait3A_72 = tpu.memref_slice %arg4[%mul3A_65, %dma_wait3A_71] : memref<20000x512xf32, #tpu.memory_space<hbm>> -> memref<8x512xf32, #tpu.memory_space<hbm>>
    %dma_wait3A_73 = arith.constant 0 : i32
    %dma_wait3A_74 = tpu.memref_slice %arg4[%mul3A_65, %dma_wait3A_73] : memref<20000x512xf32, #tpu.memory_space<hbm>> -> memref<8x512xf32, #tpu.memory_space<hbm>>
    %dma_wait3A_75 = arith.constant 0 : i32
    %dma_wait3A_76 = arith.constant 0 : i32
    %dma_wait3A_77 = tpu.memref_slice %arg7[%dma_wait3A_66, %dma_wait3A_75, %dma_wait3A_76] : memref<2x8x512xf32, #tpu.memory_space<vmem>> -> memref<1x8x512xf32, #tpu.memory_space<vmem>>
    %dma_wait3A_78 = tpu.memref_squeeze %dma_wait3A_77 : memref<1x8x512xf32, #tpu.memory_space<vmem>> -> memref<8x512xf32, #tpu.memory_space<vmem>>
    tpu.wait_dma2 semaphore(%arg12 : memref<!tpu.dma_semaphore, #tpu.memory_space<semaphore_mem>>) src(%dma_wait3A_78 : memref<8x512xf32, #tpu.memory_space<vmem>>) dst(%dma_wait3A_74 : memref<8x512xf32, #tpu.memory_space<hbm>>)
    %add3A_79 = arith.constant 2528 : i32
    %add3A_80 = arith.addi %add3A, %add3A_79 : i32
    %min3A_81 = arith.constant 2499 : i32
    %min3A_82 = arith.minsi %add3A_80, %min3A_81 : i32
    %mul3A_83 = arith.constant 8 : i32
    %mul3A_84 = arith.muli %min3A_82, %mul3A_83 : i32
    %dma_wait3A_85 = arith.constant 1 : i32
    %dma_wait3A_86 = arith.constant 0 : i32
    %dma_wait3A_87 = arith.constant 0 : i32
    %dma_wait3A_88 = tpu.memref_slice %arg7[%dma_wait3A_85, %dma_wait3A_86, %dma_wait3A_87] : memref<2x8x512xf32, #tpu.memory_space<vmem>> -> memref<1x8x512xf32, #tpu.memory_space<vmem>>
    %dma_wait3A_89 = tpu.memref_squeeze %dma_wait3A_88 : memref<1x8x512xf32, #tpu.memory_space<vmem>> -> memref<8x512xf32, #tpu.memory_space<vmem>>
    %dma_wait3A_90 = arith.constant 0 : i32
    %dma_wait3A_91 = tpu.memref_slice %arg4[%mul3A_84, %dma_wait3A_90] : memref<20000x512xf32, #tpu.memory_space<hbm>> -> memref<8x512xf32, #tpu.memory_space<hbm>>
    %dma_wait3A_92 = arith.constant 0 : i32
    %dma_wait3A_93 = tpu.memref_slice %arg4[%mul3A_84, %dma_wait3A_92] : memref<20000x512xf32, #tpu.memory_space<hbm>> -> memref<8x512xf32, #tpu.memory_space<hbm>>
    %dma_wait3A_94 = arith.constant 0 : i32
    %dma_wait3A_95 = arith.constant 0 : i32
    %dma_wait3A_96 = tpu.memref_slice %arg7[%dma_wait3A_85, %dma_wait3A_94, %dma_wait3A_95] : memref<2x8x512xf32, #tpu.memory_space<vmem>> -> memref<1x8x512xf32, #tpu.memory_space<vmem>>
    %dma_wait3A_97 = tpu.memref_squeeze %dma_wait3A_96 : memref<1x8x512xf32, #tpu.memory_space<vmem>> -> memref<8x512xf32, #tpu.memory_space<vmem>>
    tpu.wait_dma2 semaphore(%arg13 : memref<!tpu.dma_semaphore, #tpu.memory_space<semaphore_mem>>) src(%dma_wait3A_97 : memref<8x512xf32, #tpu.memory_space<vmem>>) dst(%dma_wait3A_93 : memref<8x512xf32, #tpu.memory_space<hbm>>)
    return
  }
}

module attributes {stable_mosaic.version = 14 : i64} {
  func.func @_mm_body(%arg0: i32, %arg1: memref<2000x512xf32, #tpu.memory_space<vmem>>, %arg2: memref<2000x512xf32, #tpu.memory_space<vmem>>, %arg3: memref<512x512xf32, #tpu.memory_space<vmem>>, %arg4: memref<1x512xf32, #tpu.memory_space<vmem>>, %arg5: memref<2000x512xf32, #tpu.memory_space<vmem>>) attributes {dimension_semantics = [#tpu.dimension_semantics<arbitrary>], iteration_bounds = array<i64: 10>, scalar_prefetch = 0 : i64, scratch_operands = 0 : i64, tpu.core_type = #tpu.core_type<tc>, window_params = [{transform_indices = @transform_0, window_bounds = array<i64: 2000, 512>}, {transform_indices = @transform_1, window_bounds = array<i64: 2000, 512>}, {pipeline_mode = #tpu.pipeline_mode<synchronous>, transform_indices = @transform_2, window_bounds = array<i64: 512, 512>}, {pipeline_mode = #tpu.pipeline_mode<synchronous>, transform_indices = @transform_3, window_bounds = array<i64: 1, 512>}, {transform_indices = @transform_4, window_bounds = array<i64: 2000, 512>}]} {
    %get3A = arith.constant 0 : index
    %get3A_0 = arith.constant 0 : index
    %get3A_1 = vector.load %arg1[%get3A, %get3A_0] : memref<2000x512xf32, #tpu.memory_space<vmem>>, vector<2000x512xf32>
    %get3A_2 = arith.constant 0 : index
    %get3A_3 = arith.constant 0 : index
    %get3A_4 = vector.load %arg2[%get3A_2, %get3A_3] : memref<2000x512xf32, #tpu.memory_space<vmem>>, vector<2000x512xf32>
    %add3A = arith.addf %get3A_1, %get3A_4 : vector<2000x512xf32>
    %get3A_5 = arith.constant 0 : index
    %get3A_6 = arith.constant 0 : index
    %get3A_7 = vector.load %arg3[%get3A_5, %get3A_6] : memref<512x512xf32, #tpu.memory_space<vmem>>, vector<512x512xf32>
    %dot_general3A = arith.constant dense<0.000000e+00> : vector<2000x512xf32>
    %dot_general3A_8 = tpu.matmul %add3A, %get3A_7, %dot_general3A {dimension_numbers = #tpu.dot_dimension_numbers<[1], [1], [0], [0], [0, 0, 1, 0], [], []>, transpose_lhs_hint = false} : vector<2000x512xf32>, vector<512x512xf32>, vector<2000x512xf32> -> vector<2000x512xf32>
    %get3A_9 = arith.constant 0 : index
    %get3A_10 = arith.constant 0 : index
    %get3A_11 = vector.load %arg4[%get3A_9, %get3A_10] : memref<1x512xf32, #tpu.memory_space<vmem>>, vector<1x512xf32>
    %mul3A = arith.constant 9.000000e+00 : f32
    %mul3A_12 = vector.broadcast %mul3A : f32 to vector<1x512xf32>
    %mul3A_13 = arith.mulf %mul3A_12, %get3A_11 : vector<1x512xf32>
    %add3A_14 = vector.broadcast %mul3A_13 : vector<1x512xf32> to vector<2000x512xf32>
    %add3A_15 = arith.addf %dot_general3A_8, %add3A_14 : vector<2000x512xf32>
    %swap3A = arith.constant 0 : index
    %swap3A_16 = arith.constant 0 : index
    %swap3A_17 = vector.load %arg5[%swap3A, %swap3A_16] : memref<2000x512xf32, #tpu.memory_space<vmem>>, vector<2000x512xf32>
    tpu.vector_store %arg5[%swap3A, %swap3A_16], %add3A_15 {strides = array<i32>} : memref<2000x512xf32, #tpu.memory_space<vmem>>, vector<2000x512xf32>,
    return
  }
  func.func @transform_0(%arg0: i32) -> (i32, i32) {
    %c0_i32 = arith.constant 0 : i32
    %c0_i32_0 = arith.constant 0 : i32
    return %arg0, %c0_i32 : i32, i32
  }
  func.func @transform_1(%arg0: i32) -> (i32, i32) {
    %c0_i32 = arith.constant 0 : i32
    %c0_i32_0 = arith.constant 0 : i32
    return %arg0, %c0_i32 : i32, i32
  }
  func.func @transform_2(%arg0: i32) -> (i32, i32) {
    %c0_i32 = arith.constant 0 : i32
    %c0_i32_0 = arith.constant 0 : i32
    %c0_i32_1 = arith.constant 0 : i32
    return %c0_i32, %c0_i32_0 : i32, i32
  }
  func.func @transform_3(%arg0: i32) -> (i32, i32) {
    %c0_i32 = arith.constant 0 : i32
    %c0_i32_0 = arith.constant 0 : i32
    %c0_i32_1 = arith.constant 0 : i32
    return %c0_i32, %c0_i32_0 : i32, i32
  }
  func.func @transform_4(%arg0: i32) -> (i32, i32) {
    %c0_i32 = arith.constant 0 : i32
    %c0_i32_0 = arith.constant 0 : i32
    return %arg0, %c0_i32 : i32, i32
  }
}

</mosaic_0001>

<sc_bundles>
// kernel: kernel.4.cloned.1.call-start
scs
__scs_entry_jumppad:
0x0: {  	(pc) =	sbr.rel $0x88, $3  }
0x1: {  	(tag) =	ssettag $0x0;
	lr =	simm.s32 $0x1  }
0x2: {  	[smem:$0x3F9D] =	sst lr;
	_ =	strace $0xD0000000  }
0x3: {  	_ = 	snop  }
0x4: {  	_ = 	snop  }
0x5: {  	_ = 	snop  }
0x6: {  	_ = 	snop  }
0x7: {  	_ = 	snop  }
__scs_overlays_trampoline_lowered:
0x8: {  	[smem:$0x3FAC] =	sst s0  }
0x9: {  	[smem:$0x3FAD] =	sst s1  }
0xa: {  	[smem:$0x3FAE] =	sst s2  }
0xb: {  	[smem:$0x3FAF] =	sst s3  }
0xc: {  	[smem:$0x3FB0] =	sst s4  }
0xd: {  	[smem:$0x3FB1] =	sst s5  }
0xe: {  	[smem:$0x3FB2] =	sst s6  }
0xf: {  	[smem:$0x3FB3] =	sst s7  }
0x10: {  	[smem:$0x3FB4] =	sst s8  }
0x11: {  	[smem:$0x3FB5] =	sst s9;
	s0 =	simm.s32 @!p0 $0x0  }
0x12: {  	s1 =	sld [smem:$0x3F9B];
	s0 =	simm.s32 @p0 $0x1  }
0x13: {  	[smem:$0x3FB6] =	sst s0;
	s0 =	simm.s32 @!p1 $0x0  }
0x14: {  	s2 =	sld [smem:$0x3F9A];
	s0 =	simm.s32 @p1 $0x1  }
0x15: {  	[smem:$0x3FB7] =	sst s0;
	s0 =	simm.s32 @!p2 $0x0  }
0x16: {  	s3 =	sld [smem:$0x3FDB];
	s0 =	simm.s32 @p2 $0x1  }
0x17: {  	s4 =	simm.s32 $0x1BF5;
	[smem:$0x3FB9] =	sst s0  }
0x18: {  	s0 =	sld [smem:$0x3F9C];
	_ =	swait.ge [sflag:s4], $0x0  }
0x19: {  	s7 =	sld [smem:$0x3F9D]  }
0x1a: {  	s8 =	sadd.s32 $0xFFFFE003, lr  }
0x1b: {  	s9 =	sadd.s32 $0xFFFFFEF7, lr;
	s5 =	simm.s32 $0xFFFFFFFF;
	p2 =	slt.u32 s8, $0xFFFFF086  }
0x1c: {  	p1 =	slt.u32 s9, $0xF7A;
	s5 =	simm.s32 @!p2 $0x0  }
0x1d: {  	s5 =	simm.s32 @p1 $0x1;
	p0 =	seq.s32 s7, s2  }
0x1e: {  	s7 =	smul.u32 @!p0 $0xF7A, s2;
	p2 =	seq.s32 @!p0 s5, $0x0  }
0x1f: {  	s9 =	smul.u32 $0xF7A, s1;
	s8 =	simm.s32 @!p0 $0x1BF5;
	p2 =	por !p2, p0  }
0x20: {  	[sflag:s8] =	ssyncset.s32 @!p0 $0xFFFFF086;
	s6 =	sadd.s32 @!p0 s3, s7;
	s7 =	simm.s32 @!p0 $0x108  }
0x21: {  	s3 =	sadd.s32 s3, s9;
	s6 =	sadd.s32 @!p0 $0x88, s6;
	s7 =	simm.s32 @p2 $0x1082  }
0x22: {  	[simem:s7], [sflag:s8] =	dma.local @!p0 [hbm:s6], $0xF7A  }
0x23: {  	s9 =	sor.u32 $0xD0000000, s2;
	s6 =	simm.s32 $0x108;
	_ =	swait.ge @!p0 [sflag:s8], $0x0  }
0x24: {  	s3 =	sadd.s32 $0x88, s3;
	s6 =	simm.s32 @!p1 $0x1082;
	[sflag:s4] =	ssyncset.s32 $0xFFFFF086  }
0x25: {  	[simem:s6], [sflag:s4] =	dma.local [hbm:s3], $0xF7A  }
0x26: {  	[smem:$0x3F9D] =	sst s1;
	(tag) =	ssettag s2;
	_ =	strace s9  }
0x27: {  	s1 =	sld [smem:$0x3FAD]  }
0x28: {  	s2 =	sld [smem:$0x3FAE]  }
0x29: {  	s4 =	sld [smem:$0x3FB0]  }
0x2a: {  	p0 =	seq.s32 s5, $0x0;
	s5 =	sld [smem:$0x3FB1]  }
0x2b: {  	s6 =	sld [smem:$0x3FB2]  }
0x2c: {  	s7 =	sld [smem:$0x3FB3]  }
0x2d: {  	s3 =	simm.s32 $0x108;
	s8 =	sld [smem:$0x3FB4]  }
0x2e: {  	s3 =	simm.s32 @!p0 $0x1082;
	s9 =	sld [smem:$0x3FB5]  }
0x2f: {  	lr =	sadd.s32 s0, s3;
	s0 =	sld [smem:$0x3FAC]  }
0x30: {  	s3 =	sld [smem:$0x3FAF]  }
0x31: {  	[smem:$0x3FB8] =	sst s10  }
0x32: {  	s10 =	sld [smem:$0x3FB6];
	_ =	sdelay $0x3  }
0x33: {  	p0 =	seq.s32 s10, $0x1;
	s10 =	sld [smem:$0x3FB8];
	_ =	sdelay $0x3  }
0x34: {  	[smem:$0x3FB8] =	sst s10  }
0x35: {  	s10 =	sld [smem:$0x3FB7];
	_ =	sdelay $0x3  }
0x36: {  	p1 =	seq.s32 s10, $0x1;
	s10 =	sld [smem:$0x3FB8];
	_ =	sdelay $0x3  }
0x37: {  	[smem:$0x3FB8] =	sst s10  }
0x38: {  	s10 =	sld [smem:$0x3FB9]  }
0x39: {  	_ = 	snop;
	(pc) =	sbr.ind lr, $3  }
0x3a: {  	_ = 	snop  }
0x3b: {  	_ = 	snop  }
0x3c: {  	p2 =	seq.s32 s10, $0x1;
	s10 =	sld [smem:$0x3FB8]  }
0x3d: {  	_ =	shalt  }
0x3e: {  	_ =	shalt  }
0x3f: {  	_ =	shalt  }
0x40: {  	_ =	shalt  }
0x41: {  	_ =	shalt  }
0x42: {  	_ =	shalt  }
0x43: {  	_ =	shalt  }
0x44: {  	_ =	shalt  }
0x45: {  	_ =	shalt  }
0x46: {  	_ =	shalt  }
0x47: {  	_ =	shalt  }
0x48: {  	_ =	shalt  }
0x49: {  	_ =	shalt  }
0x4a: {  	_ =	shalt  }
0x4b: {  	_ =	shalt  }
0x4c: {  	_ =	shalt  }
0x4d: {  	_ =	shalt  }
0x4e: {  	_ =	shalt  }
0x4f: {  	_ =	shalt  }
0x50: {  	_ =	shalt  }
0x51: {  	_ =	shalt  }
0x52: {  	_ =	shalt  }
0x53: {  	_ =	shalt  }
0x54: {  	_ =	shalt  }
0x55: {  	_ =	shalt  }
0x56: {  	_ =	shalt  }
0x57: {  	_ =	shalt  }
0x58: {  	_ =	shalt  }
0x59: {  	_ =	shalt  }
0x5a: {  	_ =	shalt  }
0x5b: {  	_ =	shalt  }
0x5c: {  	_ =	shalt  }
0x5d: {  	_ =	shalt  }
0x5e: {  	_ =	shalt  }
0x5f: {  	_ =	shalt  }
0x60: {  	_ =	shalt  }
0x61: {  	_ =	shalt  }
0x62: {  	_ =	shalt  }
0x63: {  	_ =	shalt  }
0x64: {  	_ =	shalt  }
0x65: {  	_ =	shalt  }
0x66: {  	_ =	shalt  }
0x67: {  	_ =	shalt  }
0x68: {  	_ =	shalt  }
0x69: {  	_ =	shalt  }
0x6a: {  	_ =	shalt  }
0x6b: {  	_ =	shalt  }
0x6c: {  	_ =	shalt  }
0x6d: {  	_ =	shalt  }
0x6e: {  	_ =	shalt  }
0x6f: {  	_ =	shalt  }
0x70: {  	_ =	shalt  }
0x71: {  	_ =	shalt  }
0x72: {  	_ =	shalt  }
0x73: {  	_ =	shalt  }
0x74: {  	_ =	shalt  }
0x75: {  	_ =	shalt  }
0x76: {  	_ =	shalt  }
0x77: {  	_ =	shalt  }
0x78: {  	_ =	shalt  }
0x79: {  	_ =	shalt  }
0x7a: {  	_ =	shalt  }
0x7b: {  	_ =	shalt  }
0x7c: {  	_ =	shalt  }
0x7d: {  	_ =	shalt  }
0x7e: {  	_ =	shalt  }
0x7f: {  	_ =	shalt  }
0x80: {  	_ =	shalt  }
0x81: {  	_ =	shalt  }
0x82: {  	_ =	shalt  }
0x83: {  	_ =	shalt  }
0x84: {  	_ =	shalt  }
0x85: {  	_ =	shalt  }
0x86: {  	_ =	shalt  }
0x87: {  	_ =	shalt  }
.Lfunc_end0:
.L_simem_size_0:
called_computation_lowered:
.L_overlay_start_0:
0x88: {  	s2 =	sld [smem:$0x3FD9]  }
0x89: {  	s3 =	sld [smem:$0x3FFE];
	_ =	sdelay $0x1  }
0x8a: {  	s1 =	srdreg.scid  }
0x8b: {  	s0 =	sand.u32 $0x1, s1  }
0x8c: {  	s17 =	sshll.u32 s0, $0xA;
	s2 =	sadd.s32 s3, s2  }
0x8d: {  	s2 =	sadd.s32 s2, s17  }
0x8e: {  	[smem:$0x3FC4] =	sst s2  }
0x8f: {  	_ = 	snop  }
0x90: {  	s2 =	sld [smem:$0x3FC9]  }
0x91: {  	s18 =	sld [smem:$0x3FD0];
	(tm) =	ssettm $0x1  }
0x92: {  	s4 =	sld [smem:$0x3FFB];
	_ =	sdelay $0x3  }
0x93: {  	_ =	strace s4  }
0x94: {  	s4 =	sld [smem:$0x3FFC];
	_ =	sdelay $0x3  }
0x95: {  	_ =	strace s4  }
0x96: {  	s4 =	sld [smem:$0x3FFD];
	_ =	sdelay $0x3  }
0x97: {  	_ =	strace s4  }
0x98: {  	_ =	strace $0x8FFFFFFF  }
0x99: {  	s19 =	sld [smem:$0x3FDB];
	_ =	sdelay $0x1  }
0x9a: {  	s5 =	simm.s32 $_scs_section_size  }
0x9b: {  	s6 =	simm.s32 $_size__tile_overlayer_lowered;
	s7 =	simm.s32 $_tile_overlayer_lowered  }
0x9c: {  	s22 =	simm.s32 $0x1BFF;
	s21 =	sshll.u32 s7, $0x1;
	s4 =	sadd.s32 s5, s19  }
0x9d: {  	s8 =	simm.s32 $0x0;
	s20 =	sshll.u32 s6, $0x1;
	s6 =	sadd.s32 s21, s4  }
0x9e: {  	[timem:s8], [sflag:s22] =	dma.local [hbm:s6], s20  }
0x9f: {  	_ =	swait.ge [sflag:s22], s20  }
0xa0: {  	s5 =	ssub.s32 $0x0, s20;
	[sflag:s22] =	ssyncset.done $0x0  }
0xa1: {  	[sflag:s22] =	ssyncadd.s32 s5;
	_ =	sdelay $0x1  }
0xa2: {  	s23 =	simm.s32 $0x1B8B  }
0xa3: {  	_ =	swait.ge [sflag:s23], $0x1  }
0xa4: {  	[sflag:s23] =	ssyncset.done $0x0  }
0xa5: {  	s25 =	simm.s32 $0x1B8E;
	s24 =	sld [smem:$0x3FFE];
	[sflag:s23] =	ssyncadd.s32 $0xFFFFFFFF  }
0xa6: {  	s26 =	simm.s32 $execute0_lowered;
	[smem:$0x3FD2] =	sst s25  }
0xa7: {  	s6 =	sshll.u32 s26, $0x1;
	_ =	strace $0x80000046;
	[dreg:$0x1] =	wrdreg $0xFFFFFFFF  }
0xa8: {  	s28 =	simm.s32 $_size_execute0_lowered;
	s4 =	sadd.s32 s4, s6;
	[dreg:$0x0] =	wrdreg $0x0  }
0xa9: {  	s6 =	sshll.u32 s28, $0x1;
	[dreg:$0x2] =	wrdreg s4  }
0xaa: {  	[dreg:$0x3] =	wrdreg s6  }
0xab: {  	[dreg:$0x4] =	wrdreg $0xC0  }
0xac: {  	_ =	task [dreg:s8], $0x5FFFF  }
0xad: {  	[dreg:$0x1] =	wrdreg $0xFFFFFFFF  }
0xae: {  	[dreg:$0x0] =	wrdreg $0x60  }
0xaf: {  	[dreg:$0x2] =	wrdreg s2  }
0xb0: {  	[dreg:$0x3] =	wrdreg s18  }
0xb1: {  	[dreg:$0x4] =	wrdreg s24  }
0xb2: {  	[dreg:$0x5] =	wrdreg $0x9  }
0xb3: {  	_ =	task.clear_ibuf [dreg:s8], $0x6FFFF;
	_ =	strace $0x90000046  }
0xb4: {  	s29 =	simm.s32 $0x9;
	_ =	strace $0x80000048  }
0xb5: {  	_ =	swait.ge [sflag:s29], $0x1  }
0xb6: {  	[sflag:s29] =	ssyncadd.s32 $0xFFFFFFFF  }
0xb7: {  	_ =	strace $0x90000048  }
0xb8: {  	_ =	sfence  }
0xb9: {  	s30 =	sld [smem:$0x0];
	_ =	sdelay $0x2  }
0xba: {  	s31 =	sshll.u32 s1, $0xD;
	s1 =	sshrl.u32 s1, $0x2  }
0xbb: {  	s3 =	sand.u32 $0x4000, s31;
	s1 =	sadd.s32 s1, s30  }
0xbc: {  	s0 =	sor.u32 s3, s0;
	s1 =	sshll.u32 s1, $0x11  }
0xbd: {  	s0 =	sor.u32 s1, s0  }
0xbe: {  	s0 =	sadd.s32 $0x8F2B, s0  }
0xbf: {  	[sflag:s0] =	ssyncadd.remote.s32 $0x1  }
0xc0: {  	_ =	sfence.sel $0xFFFF  }
0xc1: {  	[dreg:$0x0] =	wrdreg $0xFFFFFFFF;
	(pc) =	sbr.abs _section_cstart, $3  }
0xc2: {  	[dreg:$0x1] =	wrdreg $0xFFFFFFFF  }
0xc3: {  	_ =	task.clear_ibuf [dreg:s8], $0x2FFFF;
	_ =	strace $0x9FFFFFFF  }
0xc4: {  	(tm) =	ssettm $0x7FFFFFFF  }
0xc5: {  	_ =	shalt  }
tec
execute0_lowered:
.L_overlay_start_1:
0x0: {  	(tag) =	ssettag $0x1  }
0x1: {  	s1 =	rddreg [dreg:$0x0]  }
0x2: {  	s3 =	rddreg [dreg:$0x1]  }
0x3: {  	s0 =	rddreg [dreg:$0x2]  }
0x4: {  	s2 =	srdreg.scid;
	s5 =	stileid.u32;
	s4 =	simm.s32 $0x0  }
0x5: {  	s14 =	simm.s32 $0x1;
	s18 =	simm.s32 $0xC100;
	s19 =	simm.s32 $0xC900  }
0x6: {  	s20 =	simm.s32 $0xD100;
	s21 =	simm.s32 $0xD900;
	s22 =	simm.s32 $0xE100  }
0x7: {  	s23 =	simm.s32 $0xE900;
	s28 =	simm.s32 $0x10100;
	s29 =	simm.s32 $0x4  }
0x8: {  	s30 =	simm.s32 $0x11100;
	s31 =	simm.s32 $0x5;
	s8 =	simm.s32 $0x0  }
0x9: {  	s2 =	sand.u32 $0x1, s2;
	s5 =	sshll.u32 s5, $0x1;
	[smem:$0x7FF] =	sst s4  }
0xa: {  	s6 =	sadd.s32 $0x800, s0;
	s9 =	sadd.s32 $0x100, s1;
	s5 =	sor.u32 s2, s5  }
0xb: {  	_ =	strace $0x80000047;
	s2 =	ssub.s32 $0x2, s2;
	s7 =	sshll.u32 s5, $0x3  }
0xc: {  	s24 =	sshrl.u32 s2, $0x1;
	s10 =	sor.u32 $0x40, s5;
	s26 =	sor.u32 $0x60, s5  }
0xd: {  	s7 =	sadd.s32 s3, s7;
	s0 =	ssub.s32 s2, s24;
	[dreg:$0x6] =	wrdreg s26  }
0xe: {  	v2 =	vlaneseq.u32;
	s24 =	simm.s32 $0xF100;
	[dreg:$0x4] =	wrdreg s7;
	s25 =	sadd.s32 $0x100, s7  }
0xf: {  	vm0 =	vmmov $0xffff;
	v1 =	vshrl.u32 v2, $0x3;
	s26 =	simm.s32 $0x3;
	s0 =	smax.u32 s0, $0x1;
	[dreg:$0x5] =	wrdreg s25  }
0x10: {  	v0 =	vand.u32 $0x7, v2;
	v2 =	vor.u32 $0x8, v2;
	v1 =	vmul.u32 $0x8, v1;
	[dreg:$0x7] =	wrdreg s0;
	s0 =	simm.s32 $0x2;
	s25 =	simm.s32 $0xF900  }
.LBB2_1:
0x11: {  	[dreg:$0x8] =	wrdreg s8  }
0x12: {  	s2 =	rddreg [dreg:$0x4]  }
0x13: {  	[tilespmem:s4], [sflag:$0x1] =	stream.linear.gather [hbm4b:s2+s4], $0x40, $0x38;
	[tilespmem:$0x12100] =	vst v63  }
0x14: {  	s17 =	rddreg [dreg:$0x5];
	s7 =	simm.s32 $0x80  }
0x15: {  	[tilespmem:s7], [sflag:$0x2] =	stream.linear.gather [hbm4b:s17+s4], $0x40, $0x38;
	[tilespmem:$0x12100] =	vst v63  }
0x16: {  	_ =	swait.ge [sflag:s14], $0x40  }
0x17: {  	[sflag:s14] =	ssyncset.done $0x0  }
0x18: {  	[sflag:s14] =	ssyncadd.s32 $0xFFFFFFC0  }
0x19: {  	v3 =	vld [tilespmem:$0x0];
	_ =	sdelay $0x4  }
0x1a: {  	v4 =	vshll.u32 v3, $0x2  }
0x1b: {  	v3 =	vand.u32 $0x7, v3;
	v4 =	vand.u32 $0xFFFFFFE0, v4  }
0x1c: {  	v3 =	vor.u32 v3, v4  }
0x1d: {  	v4 =	vperm.xlane v3, v0;
	_ =	sdelay $0x1  }
0x1e: {  	v4 =	vadd.s32 v1, v4;
	_ =	sdelay $0x1  }
0x1f: {  	v3 =	vperm.xlane v3, v2;
	_ =	sdelay $0x1  }
0x20: {  	s7 =	simm.s32 $0x100;
	v3 =	vadd.s32 v1, v3  }
0x21: {  	[tilespmem:s7], [sflag:$0x3] =	stream.indirect_vreg.gather [hbm4b:s1+s4], $0x80, v4, vm0, $0xb8;
	[tilespmem:$0x12100] =	vst v63  }
0x22: {  	s8 =	simm.s32 $0x900  }
0x23: {  	[tilespmem:s8], [sflag:$0x3] =	stream.indirect_vreg.gather [hbm4b:s9+s4], $0x80, v4, vm0, $0xb8;
	[tilespmem:$0x12100] =	vst v63  }
0x24: {  	s11 =	simm.s32 $0x1100  }
0x25: {  	[tilespmem:s11], [sflag:$0x3] =	stream.indirect_vreg.gather [hbm4b:s1+s4], $0x80, v3, vm0, $0xb8;
	[tilespmem:$0x12100] =	vst v63  }
0x26: {  	s12 =	simm.s32 $0x1900  }
0x27: {  	[tilespmem:s12], [sflag:$0x3] =	stream.indirect_vreg.gather [hbm4b:s9+s4], $0x80, v3, vm0, $0xb8;
	[tilespmem:$0x12100] =	vst v63  }
0x28: {  	v3 =	vld [tilespmem:$0x10];
	_ =	sdelay $0x4  }
0x29: {  	v61 =	vshll.u32 v3, $0x2  }
0x2a: {  	v3 =	vand.u32 $0x7, v3;
	v4 =	vand.u32 $0xFFFFFFE0, v61  }
0x2b: {  	v3 =	vor.u32 v3, v4  }
0x2c: {  	v4 =	vperm.xlane v3, v0;
	_ =	sdelay $0x1  }
0x2d: {  	v4 =	vadd.s32 v1, v4;
	_ =	sdelay $0x1  }
0x2e: {  	v3 =	vperm.xlane v3, v2;
	_ =	sdelay $0x1  }
0x2f: {  	s13 =	simm.s32 $0x2100;
	v3 =	vadd.s32 v1, v3  }
0x30: {  	[tilespmem:s13], [sflag:$0x3] =	stream.indirect_vreg.gather [hbm4b:s1+s4], $0x80, v4, vm0, $0xb8;
	[tilespmem:$0x12100] =	vst v63  }
0x31: {  	s15 =	simm.s32 $0x2900  }
0x32: {  	[tilespmem:s15], [sflag:$0x3] =	stream.indirect_vreg.gather [hbm4b:s9+s4], $0x80, v4, vm0, $0xb8;
	[tilespmem:$0x12100] =	vst v63  }
0x33: {  	s16 =	simm.s32 $0x3100  }
0x34: {  	[tilespmem:s16], [sflag:$0x3] =	stream.indirect_vreg.gather [hbm4b:s1+s4], $0x80, v3, vm0, $0xb8;
	[tilespmem:$0x12100] =	vst v63  }
0x35: {  	s17 =	simm.s32 $0x3900  }
0x36: {  	[tilespmem:s17], [sflag:$0x3] =	stream.indirect_vreg.gather [hbm4b:s9+s4], $0x80, v3, vm0, $0xb8;
	[tilespmem:$0x12100] =	vst v63  }
0x37: {  	v3 =	vld [tilespmem:$0x20];
	_ =	sdelay $0x4  }
0x38: {  	v62 =	vshll.u32 v3, $0x2  }
0x39: {  	v3 =	vand.u32 $0x7, v3;
	v4 =	vand.u32 $0xFFFFFFE0, v62  }
0x3a: {  	v3 =	vor.u32 v3, v4  }
0x3b: {  	v4 =	vperm.xlane v3, v0;
	_ =	sdelay $0x1  }
0x3c: {  	v4 =	vadd.s32 v1, v4;
	_ =	sdelay $0x1  }
0x3d: {  	v3 =	vperm.xlane v3, v2;
	_ =	sdelay $0x1  }
0x3e: {  	s7 =	simm.s32 $0x4100;
	v3 =	vadd.s32 v1, v3  }
0x3f: {  	[tilespmem:s7], [sflag:$0x3] =	stream.indirect_vreg.gather [hbm4b:s1+s4], $0x80, v4, vm0, $0xb8;
	[tilespmem:$0x12100] =	vst v63  }
0x40: {  	s8 =	simm.s32 $0x4900  }
0x41: {  	[tilespmem:s8], [sflag:$0x3] =	stream.indirect_vreg.gather [hbm4b:s9+s4], $0x80, v4, vm0, $0xb8;
	[tilespmem:$0x12100] =	vst v63  }
0x42: {  	s11 =	simm.s32 $0x5100  }
0x43: {  	[tilespmem:s11], [sflag:$0x3] =	stream.indirect_vreg.gather [hbm4b:s1+s4], $0x80, v3, vm0, $0xb8;
	[tilespmem:$0x12100] =	vst v63  }
0x44: {  	s12 =	simm.s32 $0x5900  }
0x45: {  	[tilespmem:s12], [sflag:$0x3] =	stream.indirect_vreg.gather [hbm4b:s9+s4], $0x80, v3, vm0, $0xb8;
	[tilespmem:$0x12100] =	vst v63  }
0x46: {  	v3 =	vld [tilespmem:$0x30];
	_ =	sdelay $0x4  }
0x47: {  	v63 =	vshll.u32 v3, $0x2  }
0x48: {  	v3 =	vand.u32 $0x7, v3;
	v4 =	vand.u32 $0xFFFFFFE0, v63  }
0x49: {  	v3 =	vor.u32 v3, v4  }
0x4a: {  	v4 =	vperm.xlane v3, v0;
	_ =	sdelay $0x1  }
0x4b: {  	v4 =	vadd.s32 v1, v4;
	_ =	sdelay $0x1  }
0x4c: {  	v3 =	vperm.xlane v3, v2;
	_ =	sdelay $0x1  }
0x4d: {  	s13 =	simm.s32 $0x6100;
	v3 =	vadd.s32 v1, v3  }
0x4e: {  	[tilespmem:s13], [sflag:$0x3] =	stream.indirect_vreg.gather [hbm4b:s1+s4], $0x80, v4, vm0, $0xb8;
	[tilespmem:$0x12100] =	vst v63  }
0x4f: {  	s15 =	simm.s32 $0x6900  }
0x50: {  	[tilespmem:s15], [sflag:$0x3] =	stream.indirect_vreg.gather [hbm4b:s9+s4], $0x80, v4, vm0, $0xb8;
	[tilespmem:$0x12100] =	vst v63  }
0x51: {  	s16 =	simm.s32 $0x7100  }
0x52: {  	[tilespmem:s16], [sflag:$0x3] =	stream.indirect_vreg.gather [hbm4b:s1+s4], $0x80, v3, vm0, $0xb8;
	[tilespmem:$0x12100] =	vst v63  }
0x53: {  	s17 =	simm.s32 $0x7900;
	s11 =	simm.s32 $0x0  }
0x54: {  	[tilespmem:s17], [sflag:$0x3] =	stream.indirect_vreg.gather [hbm4b:s9+s4], $0x80, v3, vm0, $0xb8;
	[tilespmem:$0x12100] =	vst v63  }
.LBB2_2:
0x55: {  	_ =	swait.ge [sflag:s0], $0x40  }
0x56: {  	[sflag:s0] =	ssyncset.done $0x0  }
0x57: {  	[sflag:s0] =	ssyncadd.s32 $0xFFFFFFC0  }
0x58: {  	v3 =	vld [tilespmem:$0x80];
	_ =	sdelay $0x4  }
0x59: {  	v4 =	vshll.u32 v3, $0x2  }
0x5a: {  	v3 =	vand.u32 $0x7, v3;
	v4 =	vand.u32 $0xFFFFFFE0, v4  }
0x5b: {  	v3 =	vor.u32 v3, v4  }
0x5c: {  	v4 =	vperm.xlane v3, v0;
	_ =	sdelay $0x1  }
0x5d: {  	v4 =	vadd.s32 v1, v4;
	_ =	sdelay $0x1  }
0x5e: {  	v3 =	vperm.xlane v3, v2;
	_ =	sdelay $0x1  }
0x5f: {  	s2 =	simm.s32 $0x8100;
	v3 =	vadd.s32 v1, v3  }
0x60: {  	[tilespmem:s2], [sflag:$0x4] =	stream.indirect_vreg.gather [hbm4b:s1+s4], $0x80, v4, vm0, $0xb8;
	[tilespmem:$0x12100] =	vst v63  }
0x61: {  	s7 =	simm.s32 $0x8900  }
0x62: {  	[tilespmem:s7], [sflag:$0x4] =	stream.indirect_vreg.gather [hbm4b:s9+s4], $0x80, v4, vm0, $0xb8;
	[tilespmem:$0x12100] =	vst v63  }
0x63: {  	s8 =	simm.s32 $0x9100  }
0x64: {  	[tilespmem:s8], [sflag:$0x4] =	stream.indirect_vreg.gather [hbm4b:s1+s4], $0x80, v3, vm0, $0xb8;
	[tilespmem:$0x12100] =	vst v63  }
0x65: {  	s12 =	simm.s32 $0x9900  }
0x66: {  	[tilespmem:s12], [sflag:$0x4] =	stream.indirect_vreg.gather [hbm4b:s9+s4], $0x80, v3, vm0, $0xb8;
	[tilespmem:$0x12100] =	vst v63  }
0x67: {  	v3 =	vld [tilespmem:$0x90];
	_ =	sdelay $0x4  }
0x68: {  	v61 =	vshll.u32 v3, $0x2  }
0x69: {  	v3 =	vand.u32 $0x7, v3;
	v4 =	vand.u32 $0xFFFFFFE0, v61  }
0x6a: {  	v3 =	vor.u32 v3, v4  }
0x6b: {  	v4 =	vperm.xlane v3, v0;
	_ =	sdelay $0x1  }
0x6c: {  	v4 =	vadd.s32 v1, v4;
	_ =	sdelay $0x1  }
0x6d: {  	v3 =	vperm.xlane v3, v2;
	_ =	sdelay $0x1  }
0x6e: {  	s13 =	simm.s32 $0xA100;
	v3 =	vadd.s32 v1, v3  }
0x6f: {  	[tilespmem:s13], [sflag:$0x4] =	stream.indirect_vreg.gather [hbm4b:s1+s4], $0x80, v4, vm0, $0xb8;
	[tilespmem:$0x12100] =	vst v63  }
0x70: {  	s15 =	simm.s32 $0xA900  }
0x71: {  	[tilespmem:s15], [sflag:$0x4] =	stream.indirect_vreg.gather [hbm4b:s9+s4], $0x80, v4, vm0, $0xb8;
	[tilespmem:$0x12100] =	vst v63  }
0x72: {  	s16 =	simm.s32 $0xB100  }
0x73: {  	[tilespmem:s16], [sflag:$0x4] =	stream.indirect_vreg.gather [hbm4b:s1+s4], $0x80, v3, vm0, $0xb8;
	[tilespmem:$0x12100] =	vst v63  }
0x74: {  	s17 =	simm.s32 $0xB900  }
0x75: {  	[tilespmem:s17], [sflag:$0x4] =	stream.indirect_vreg.gather [hbm4b:s9+s4], $0x80, v3, vm0, $0xb8;
	[tilespmem:$0x12100] =	vst v63  }
0x76: {  	v3 =	vld [tilespmem:$0xA0];
	_ =	sdelay $0x4  }
0x77: {  	v62 =	vshll.u32 v3, $0x2  }
0x78: {  	v3 =	vand.u32 $0x7, v3;
	v4 =	vand.u32 $0xFFFFFFE0, v62  }
0x79: {  	v3 =	vor.u32 v3, v4  }
0x7a: {  	v4 =	vperm.xlane v3, v0;
	_ =	sdelay $0x1  }
0x7b: {  	v4 =	vadd.s32 v1, v4;
	_ =	sdelay $0x1  }
0x7c: {  	v3 =	vperm.xlane v3, v2;
	_ =	sdelay $0x1  }
0x7d: {  	v3 =	vadd.s32 v1, v3  }
0x7e: {  	[tilespmem:s18], [sflag:$0x4] =	stream.indirect_vreg.gather [hbm4b:s1+s4], $0x80, v4, vm0, $0xb8;
	[tilespmem:$0x12100] =	vst v63  }
0x7f: {  	_ = 	snop  }
0x80: {  	[tilespmem:s19], [sflag:$0x4] =	stream.indirect_vreg.gather [hbm4b:s9+s4], $0x80, v4, vm0, $0xb8;
	[tilespmem:$0x12100] =	vst v63  }
0x81: {  	_ = 	snop  }
0x82: {  	[tilespmem:s20], [sflag:$0x4] =	stream.indirect_vreg.gather [hbm4b:s1+s4], $0x80, v3, vm0, $0xb8;
	[tilespmem:$0x12100] =	vst v63  }
0x83: {  	_ = 	snop  }
0x84: {  	[tilespmem:s21], [sflag:$0x4] =	stream.indirect_vreg.gather [hbm4b:s9+s4], $0x80, v3, vm0, $0xb8;
	[tilespmem:$0x12100] =	vst v63  }
0x85: {  	v3 =	vld [tilespmem:$0xB0];
	_ =	sdelay $0x4  }
0x86: {  	v63 =	vshll.u32 v3, $0x2  }
0x87: {  	v3 =	vand.u32 $0x7, v3;
	v4 =	vand.u32 $0xFFFFFFE0, v63  }
0x88: {  	v3 =	vor.u32 v3, v4  }
0x89: {  	v4 =	vperm.xlane v3, v0;
	_ =	sdelay $0x1  }
0x8a: {  	v4 =	vadd.s32 v1, v4;
	_ =	sdelay $0x1  }
0x8b: {  	v3 =	vperm.xlane v3, v2;
	_ =	sdelay $0x1  }
0x8c: {  	v3 =	vadd.s32 v1, v3  }
0x8d: {  	[tilespmem:s22], [sflag:$0x4] =	stream.indirect_vreg.gather [hbm4b:s1+s4], $0x80, v4, vm0, $0xb8;
	[tilespmem:$0x12100] =	vst v63  }
0x8e: {  	p1 =	seq.s32 s11, $0x27  }
0x8f: {  	[tilespmem:s23], [sflag:$0x4] =	stream.indirect_vreg.gather [hbm4b:s9+s4], $0x80, v4, vm0, $0xb8;
	[tilespmem:$0x12100] =	vst v63  }
0x90: {  	p0 =	seq.s32 @!p1 s11, $0x0  }
0x91: {  	[tilespmem:s24], [sflag:$0x4] =	stream.indirect_vreg.gather [hbm4b:s1+s4], $0x80, v3, vm0, $0xb8;
	[tilespmem:$0x12100] =	vst v63  }
0x92: {  	p0 =	por p1, !p0;
	s8 =	sshll.u32 s11, $0x6  }
0x93: {  	[tilespmem:s25], [sflag:$0x4] =	stream.indirect_vreg.gather [hbm4b:s9+s4], $0x80, v3, vm0, $0xb8;
	[tilespmem:$0x12100] =	vst v63  }
.Ltmp0:
0x94: {  	s2 =	sadd.s32 @!p1 s10, s8;
	(pc) =	sbr.rel @!p0 .LBB2_3-.Ltmp0, $4  }
0x95: {  	s2 =	smin.u32 @!p1 s2, $0x9C3;
	_ =	swait.ge [sflag:s26], $0x8000  }
0x96: {  	s2 =	sshll.u32 @!p1 s2, $0x3;
	[sflag:s26] =	ssyncset.done $0x0  }
0x97: {  	s7 =	simm.s32 @!p1 $0x0;
	s2 =	sadd.s32 @!p1 s3, s2;
	[sflag:s26] =	ssyncadd.s32 $0xFFFF8000  }
0x98: {  	[tilespmem:s7], [sflag:$0x1] =	stream.linear.gather @!p1 [hbm4b:s2+s7], $0x40, $0x38;
	[tilespmem:$0x12100] =	vst v63  }
.Ltmp1:
0x99: {  	(pc) =	sbr.rel .LBB2_5-.Ltmp1, $4  }
0x9a: {  	_ = 	snop  }
0x9b: {  	_ =	swait.ge [sflag:s31], $0x1000  }
0x9c: {  	[sflag:s31] =	ssyncset.done $0x0  }
0x9d: {  	p0 =	por $0x0, $0x0;
	[sflag:s31] =	ssyncadd.s32 $0xFFFFF000  }
.LBB2_3:
0x9e: {  	p0 =	por @!p1 $0x1, $0x1  }
.LBB2_5:
0x9f: {  	s7 =	sor.u32 s8, s5  }
0xa0: {  	s2 =	sor.u32 $0x20, s7  }
0xa1: {  	s12 =	simm.s32 $0x0;
	s13 =	simm.s32 $0x0;
	s2 =	smin.u32 s2, $0x9C3  }
.LBB2_6:
0xa2: {  	s15 =	sand.u32 $0x70, s13;
	s16 =	sand.u32 $0xC00, s12  }
0xa3: {  	s15 =	sor.u32 s15, s16  }
0xa4: {  	v3 =	vld [tilespmem:s15+$0x100]  }
0xa5: {  	v4 =	vld [tilespmem:s15+$0x180]  }
0xa6: {  	v5 =	vld [tilespmem:s15+$0x200]  }
0xa7: {  	v7 =	vld [tilespmem:s15+$0x300]  }
0xa8: {  	v8 =	vld [tilespmem:s15+$0x380]  }
0xa9: {  	v9 =	vld [tilespmem:s15+$0x400]  }
0xaa: {  	v11 =	vld [tilespmem:s15+$0x1100]  }
0xab: {  	v12 =	vld [tilespmem:s15+$0x1180]  }
0xac: {  	v13 =	vld [tilespmem:s15+$0x1200]  }
0xad: {  	v14 =	vld [tilespmem:s15+$0x1280]  }
0xae: {  	v15 =	vld [tilespmem:s15+$0x1300]  }
0xaf: {  	v16 =	vld [tilespmem:s15+$0x1380]  }
0xb0: {  	v17 =	vld [tilespmem:s15+$0x1400]  }
0xb1: {  	v18 =	vld [tilespmem:s15+$0x1480]  }
0xb2: {  	v19 =	vld [tilespmem:s15+$0x2100]  }
0xb3: {  	v20 =	vld [tilespmem:s15+$0x2180]  }
0xb4: {  	v21 =	vld [tilespmem:s15+$0x2200]  }
0xb5: {  	v22 =	vld [tilespmem:s15+$0x2280]  }
0xb6: {  	v23 =	vld [tilespmem:s15+$0x2300]  }
0xb7: {  	v24 =	vld [tilespmem:s15+$0x2380]  }
0xb8: {  	v25 =	vld [tilespmem:s15+$0x2400]  }
0xb9: {  	v26 =	vld [tilespmem:s15+$0x2480]  }
0xba: {  	v27 =	vld [tilespmem:s15+$0x3100]  }
0xbb: {  	v28 =	vld [tilespmem:s15+$0x3180]  }
0xbc: {  	v31 =	vld [tilespmem:s15+$0x3200]  }
0xbd: {  	v34 =	vld [tilespmem:s15+$0x3280]  }
0xbe: {  	s16 =	sor.u32 s16, s13;
	v37 =	vld [tilespmem:s15+$0x3300]  }
0xbf: {  	s17 =	sor.u32 $0x180, s16;
	v39 =	vld [tilespmem:s15+$0x3380]  }
0xc0: {  	s16 =	sor.u32 s12, s13;
	v6 =	vld [tilespmem:s17+$0x100];
	v3 =	vadd.f32 v4, v3;
	v29 =	vadd.f32 v8, v7  }
0xc1: {  	v42 =	vld [tilespmem:s15+$0x3400];
	s16 =	sor.u32 $0x380, s16;
	v32 =	vadd.f32 v12, v11;
	v33 =	vadd.f32 v14, v13  }
0xc2: {  	v10 =	vld [tilespmem:s16+$0x100];
	v35 =	vadd.f32 v16, v15;
	v36 =	vadd.f32 v18, v17  }
0xc3: {  	v43 =	vld [tilespmem:s15+$0x3480];
	v45 =	vadd.f32 v20, v19;
	v46 =	vadd.f32 v22, v21  }
0xc4: {  	v47 =	vadd.f32 v24, v23;
	v48 =	vadd.f32 v26, v25  }
0xc5: {  	v8 =	vadd.f32 v34, v31;
	v63 =	vadd.f32 v6, v5  }
0xc6: {  	v5 =	vadd.f32 v28, v27;
	v6 =	vadd.f32 v39, v37  }
0xc7: {  	v30 =	vadd.f32 v10, v9;
	v40 =	vadd.f32 v33, v32  }
0xc8: {  	v41 =	vadd.f32 v36, v35;
	v10 =	vadd.f32 v43, v42  }
0xc9: {  	v3 =	vadd.f32 v63, v3;
	v38 =	vadd.f32 v30, v29  }
0xca: {  	v7 =	vadd.f32 v46, v45;
	v49 =	vadd.f32 v48, v47  }
0xcb: {  	v5 =	vadd.f32 v8, v5;
	v3 =	vadd.f32 v38, v3  }
0xcc: {  	v44 =	vadd.f32 v41, v40;
	v6 =	vadd.f32 v10, v6  }
0xcd: {  	[tilespmem:s15+$0x10100] =	vst v3;
	v3 =	vadd.f32 v49, v7  }
0xce: {  	[tilespmem:s15+$0x10180] =	vst v44;
	v50 =	vadd.f32 v6, v5  }
0xcf: {  	[tilespmem:s15+$0x10200] =	vst v3  }
0xd0: {  	[tilespmem:s17+$0x10100] =	vst v50  }
0xd1: {  	v3 =	vld [tilespmem:s15+$0x4100]  }
0xd2: {  	v4 =	vld [tilespmem:s15+$0x4180]  }
0xd3: {  	v51 =	vld [tilespmem:s15+$0x4200]  }
0xd4: {  	v52 =	vld [tilespmem:s15+$0x4280]  }
0xd5: {  	v53 =	vld [tilespmem:s15+$0x4300]  }
0xd6: {  	v54 =	vld [tilespmem:s15+$0x4380]  }
0xd7: {  	v55 =	vld [tilespmem:s15+$0x4400]  }
0xd8: {  	v56 =	vld [tilespmem:s15+$0x4480]  }
0xd9: {  	v57 =	vld [tilespmem:s15+$0x5100]  }
0xda: {  	v58 =	vld [tilespmem:s15+$0x5180]  }
0xdb: {  	v59 =	vld [tilespmem:s15+$0x5200]  }
0xdc: {  	v60 =	vld [tilespmem:s15+$0x5280]  }
0xdd: {  	v61 =	vld [tilespmem:s15+$0x5300]  }
0xde: {  	v62 =	vld [tilespmem:s15+$0x5380]  }
0xdf: {  	v63 =	vld [tilespmem:s15+$0x5400]  }
0xe0: {  	v30 =	vld [tilespmem:s15+$0x5480]  }
0xe1: {  	v31 =	vld [tilespmem:s15+$0x6100]  }
0xe2: {  	v32 =	vld [tilespmem:s15+$0x6180]  }
0xe3: {  	v33 =	vld [tilespmem:s15+$0x6200]  }
0xe4: {  	v34 =	vld [tilespmem:s15+$0x6280]  }
0xe5: {  	v35 =	vld [tilespmem:s15+$0x6300]  }
0xe6: {  	v36 =	vld [tilespmem:s15+$0x6380]  }
0xe7: {  	v37 =	vld [tilespmem:s15+$0x6400]  }
0xe8: {  	v38 =	vld [tilespmem:s15+$0x6480]  }
0xe9: {  	v39 =	vld [tilespmem:s15+$0x7100]  }
0xea: {  	v41 =	vld [tilespmem:s15+$0x7180]  }
0xeb: {  	v44 =	vld [tilespmem:s15+$0x7200];
	v3 =	vadd.f32 v4, v3;
	v40 =	vadd.f32 v52, v51  }
0xec: {  	v47 =	vld [tilespmem:s15+$0x7280];
	v42 =	vadd.f32 v54, v53;
	v43 =	vadd.f32 v56, v55  }
0xed: {  	v50 =	vld [tilespmem:s15+$0x7300];
	v45 =	vadd.f32 v58, v57;
	v46 =	vadd.f32 v60, v59  }
0xee: {  	v48 =	vadd.f32 v62, v61;
	v49 =	vadd.f32 v30, v63;
	v52 =	vld [tilespmem:s15+$0x7380]  }
0xef: {  	v55 =	vld [tilespmem:s15+$0x7400];
	v58 =	vadd.f32 v32, v31;
	v59 =	vadd.f32 v34, v33  }
0xf0: {  	v56 =	vld [tilespmem:s15+$0x7480];
	v60 =	vadd.f32 v36, v35;
	v61 =	vadd.f32 v38, v37  }
0xf1: {  	v5 =	vadd.f32 v41, v39;
	v8 =	vadd.f32 v47, v44  }
0xf2: {  	v3 =	vadd.f32 v40, v3;
	v51 =	vadd.f32 v43, v42  }
0xf3: {  	v53 =	vadd.f32 v46, v45;
	v54 =	vadd.f32 v49, v48  }
0xf4: {  	v7 =	vadd.f32 v59, v58;
	v62 =	vadd.f32 v61, v60  }
0xf5: {  	v6 =	vadd.f32 v52, v50;
	v10 =	vadd.f32 v56, v55  }
0xf6: {  	p2 =	sne.s32 s13, $0x1F0;
	v5 =	vadd.f32 v8, v5;
	v3 =	vadd.f32 v51, v3  }
.Ltmp2:
0xf7: {  	v57 =	vadd.f32 v54, v53;
	v6 =	vadd.f32 v10, v6;
	(pc) =	sbr.rel @p2 .LBB2_6-.Ltmp2, $4  }
0xf8: {  	[tilespmem:s15+$0x10300] =	vst v3;
	v3 =	vadd.f32 v62, v7  }
0xf9: {  	[tilespmem:s15+$0x10380] =	vst v57;
	v63 =	vadd.f32 v6, v5  }
0xfa: {  	[tilespmem:s15+$0x10400] =	vst v3  }
0xfb: {  	s12 =	sadd.s32 $0x80, s12;
	s13 =	sadd.s32 $0x10, s13;
	[tilespmem:s16+$0x10100] =	vst v63  }
.Ltmp3:
0xfc: {  	(pc) =	sbr.rel @!p1 .LBB2_8-.Ltmp3, $4  }
0xfd: {  	s7 =	smin.u32 s7, $0x9C3  }
0xfe: {  	s7 =	sshll.u32 s7, $0x9  }
0xff: {  	s7 =	sadd.s32 s6, s7  }
0x100: {  	[hbm4b:s7+s4] =	stream.linear.scatter [tilespmem:s28], [sflag:$0x5], $0x1000, $0x38;
	[tilespmem:$0x12100] =	vst v63  }
.Ltmp4:
0x101: {  	(pc) =	sbr.rel .LBB2_10-.Ltmp4, $4  }
0x102: {  	_ = 	snop  }
0x103: {  	_ =	swait.ge [sflag:s29], $0x8000  }
0x104: {  	[sflag:s29] =	ssyncset.done $0x0  }
0x105: {  	[sflag:s29] =	ssyncadd.s32 $0xFFFF8000  }
.LBB2_8:
0x106: {  	_ =	swait.ge [sflag:s14], $0x40  }
0x107: {  	[sflag:s14] =	ssyncset.done $0x0  }
0x108: {  	[sflag:s14] =	ssyncadd.s32 $0xFFFFFFC0  }
0x109: {  	v3 =	vld [tilespmem:$0x0];
	_ =	sdelay $0x4  }
0x10a: {  	v4 =	vshll.u32 v3, $0x2  }
0x10b: {  	v3 =	vand.u32 $0x7, v3;
	v4 =	vand.u32 $0xFFFFFFE0, v4  }
0x10c: {  	v3 =	vor.u32 v3, v4  }
0x10d: {  	v4 =	vperm.xlane v3, v0;
	_ =	sdelay $0x1  }
0x10e: {  	v4 =	vadd.s32 v1, v4;
	_ =	sdelay $0x1  }
0x10f: {  	v3 =	vperm.xlane v3, v2;
	_ =	sdelay $0x1  }
0x110: {  	s7 =	simm.s32 $0x100;
	v3 =	vadd.s32 v1, v3  }
0x111: {  	[tilespmem:s7], [sflag:$0x3] =	stream.indirect_vreg.gather [hbm4b:s1+s4], $0x80, v4, vm0, $0xb8;
	[tilespmem:$0x12100] =	vst v63  }
0x112: {  	s16 =	simm.s32 $0x900  }
0x113: {  	[tilespmem:s16], [sflag:$0x3] =	stream.indirect_vreg.gather [hbm4b:s9+s4], $0x80, v4, vm0, $0xb8;
	[tilespmem:$0x12100] =	vst v63  }
0x114: {  	s17 =	simm.s32 $0x1100  }
0x115: {  	[tilespmem:s17], [sflag:$0x3] =	stream.indirect_vreg.gather [hbm4b:s1+s4], $0x80, v3, vm0, $0xb8;
	[tilespmem:$0x12100] =	vst v63  }
0x116: {  	s12 =	simm.s32 $0x1900  }
0x117: {  	[tilespmem:s12], [sflag:$0x3] =	stream.indirect_vreg.gather [hbm4b:s9+s4], $0x80, v3, vm0, $0xb8;
	[tilespmem:$0x12100] =	vst v63  }
0x118: {  	v3 =	vld [tilespmem:$0x10];
	_ =	sdelay $0x4  }
0x119: {  	v61 =	vshll.u32 v3, $0x2  }
0x11a: {  	v3 =	vand.u32 $0x7, v3;
	v4 =	vand.u32 $0xFFFFFFE0, v61  }
0x11b: {  	v3 =	vor.u32 v3, v4  }
0x11c: {  	v4 =	vperm.xlane v3, v0;
	_ =	sdelay $0x1  }
0x11d: {  	v4 =	vadd.s32 v1, v4;
	_ =	sdelay $0x1  }
0x11e: {  	v3 =	vperm.xlane v3, v2;
	_ =	sdelay $0x1  }
0x11f: {  	s13 =	simm.s32 $0x2100;
	v3 =	vadd.s32 v1, v3  }
0x120: {  	[tilespmem:s13], [sflag:$0x3] =	stream.indirect_vreg.gather [hbm4b:s1+s4], $0x80, v4, vm0, $0xb8;
	[tilespmem:$0x12100] =	vst v63  }
0x121: {  	s15 =	simm.s32 $0x2900  }
0x122: {  	[tilespmem:s15], [sflag:$0x3] =	stream.indirect_vreg.gather [hbm4b:s9+s4], $0x80, v4, vm0, $0xb8;
	[tilespmem:$0x12100] =	vst v63  }
0x123: {  	s16 =	simm.s32 $0x3100  }
0x124: {  	[tilespmem:s16], [sflag:$0x3] =	stream.indirect_vreg.gather [hbm4b:s1+s4], $0x80, v3, vm0, $0xb8;
	[tilespmem:$0x12100] =	vst v63  }
0x125: {  	s17 =	simm.s32 $0x3900  }
0x126: {  	[tilespmem:s17], [sflag:$0x3] =	stream.indirect_vreg.gather [hbm4b:s9+s4], $0x80, v3, vm0, $0xb8;
	[tilespmem:$0x12100] =	vst v63  }
0x127: {  	v3 =	vld [tilespmem:$0x20];
	_ =	sdelay $0x4  }
0x128: {  	v62 =	vshll.u32 v3, $0x2  }
0x129: {  	v3 =	vand.u32 $0x7, v3;
	v4 =	vand.u32 $0xFFFFFFE0, v62  }
0x12a: {  	v3 =	vor.u32 v3, v4  }
0x12b: {  	v4 =	vperm.xlane v3, v0;
	_ =	sdelay $0x1  }
0x12c: {  	v4 =	vadd.s32 v1, v4;
	_ =	sdelay $0x1  }
0x12d: {  	v3 =	vperm.xlane v3, v2;
	_ =	sdelay $0x1  }
0x12e: {  	s12 =	simm.s32 $0x4100;
	v3 =	vadd.s32 v1, v3  }
0x12f: {  	[tilespmem:s12], [sflag:$0x3] =	stream.indirect_vreg.gather [hbm4b:s1+s4], $0x80, v4, vm0, $0xb8;
	[tilespmem:$0x12100] =	vst v63  }
0x130: {  	s13 =	simm.s32 $0x4900  }
0x131: {  	[tilespmem:s13], [sflag:$0x3] =	stream.indirect_vreg.gather [hbm4b:s9+s4], $0x80, v4, vm0, $0xb8;
	[tilespmem:$0x12100] =	vst v63  }
0x132: {  	s15 =	simm.s32 $0x5100  }
0x133: {  	[tilespmem:s15], [sflag:$0x3] =	stream.indirect_vreg.gather [hbm4b:s1+s4], $0x80, v3, vm0, $0xb8;
	[tilespmem:$0x12100] =	vst v63  }
0x134: {  	s16 =	simm.s32 $0x5900  }
0x135: {  	[tilespmem:s16], [sflag:$0x3] =	stream.indirect_vreg.gather [hbm4b:s9+s4], $0x80, v3, vm0, $0xb8;
	[tilespmem:$0x12100] =	vst v63  }
0x136: {  	v3 =	vld [tilespmem:$0x30];
	_ =	sdelay $0x4  }
0x137: {  	v63 =	vshll.u32 v3, $0x2  }
0x138: {  	v3 =	vand.u32 $0x7, v3;
	v4 =	vand.u32 $0xFFFFFFE0, v63  }
0x139: {  	v3 =	vor.u32 v3, v4  }
0x13a: {  	v4 =	vperm.xlane v3, v0;
	_ =	sdelay $0x1  }
0x13b: {  	v4 =	vadd.s32 v1, v4;
	_ =	sdelay $0x1  }
0x13c: {  	v3 =	vperm.xlane v3, v2;
	_ =	sdelay $0x1  }
0x13d: {  	s17 =	simm.s32 $0x6100;
	v3 =	vadd.s32 v1, v3  }
0x13e: {  	[tilespmem:s17], [sflag:$0x3] =	stream.indirect_vreg.gather [hbm4b:s1+s4], $0x80, v4, vm0, $0xb8;
	[tilespmem:$0x12100] =	vst v63  }
0x13f: {  	s12 =	simm.s32 $0x6900  }
0x140: {  	[tilespmem:s12], [sflag:$0x3] =	stream.indirect_vreg.gather [hbm4b:s9+s4], $0x80, v4, vm0, $0xb8;
	[tilespmem:$0x12100] =	vst v63  }
0x141: {  	s13 =	simm.s32 $0x7100;
	s16 =	rddreg [dreg:$0x6]  }
0x142: {  	[tilespmem:s13], [sflag:$0x3] =	stream.indirect_vreg.gather [hbm4b:s1+s4], $0x80, v3, vm0, $0xb8;
	[tilespmem:$0x12100] =	vst v63  }
0x143: {  	s15 =	simm.s32 $0x7900;
	s7 =	sadd.s32 s16, s8  }
0x144: {  	[tilespmem:s15], [sflag:$0x3] =	stream.indirect_vreg.gather [hbm4b:s9+s4], $0x80, v3, vm0, $0xb8;
	[tilespmem:$0x12100] =	vst v63  }
0x145: {  	s7 =	smin.u32 s7, $0x9C3;
	_ =	swait.ge [sflag:s29], $0x8000  }
0x146: {  	s7 =	sshll.u32 s7, $0x3;
	[sflag:s29] =	ssyncset.done $0x0  }
0x147: {  	s7 =	sadd.s32 s3, s7;
	s17 =	simm.s32 $0x80;
	[sflag:s29] =	ssyncadd.s32 $0xFFFF8000  }
0x148: {  	[tilespmem:s17], [sflag:$0x2] =	stream.linear.gather [hbm4b:s7+s4], $0x40, $0x38;
	[tilespmem:$0x12100] =	vst v63  }
.LBB2_10:
0x149: {  	s7 =	simm.s32 @!p0 $0x6  }
0x14a: {  	s8 =	simm.s32 $0x0;
	_ =	swait.ge @!p0 [sflag:s7], $0x1000  }
0x14b: {  	s12 =	sand.u32 $0x70, s8;
	s8 =	sand.u32 $0xC00, s8;
	[sflag:s7] =	ssyncset.done @!p0 $0x0  }
0x14c: {  	s8 =	sor.u32 s12, s8;
	[sflag:s7] =	ssyncadd.s32 @!p0 $0xFFFFF000  }
0x14d: {  	v3 =	vld [tilespmem:s8+$0xF100]  }
0x14e: {  	v4 =	vld [tilespmem:s8+$0xF180]  }
0x14f: {  	v5 =	vld [tilespmem:s8+$0xF200]  }
0x150: {  	v6 =	vld [tilespmem:s8+$0xF280]  }
0x151: {  	v7 =	vld [tilespmem:s8+$0xF300]  }
0x152: {  	v8 =	vld [tilespmem:s8+$0xF380]  }
0x153: {  	v9 =	vld [tilespmem:s8+$0xF400]  }
0x154: {  	v10 =	vld [tilespmem:s8+$0xF480]  }
0x155: {  	v11 =	vld [tilespmem:s8+$0x8100]  }
0x156: {  	v12 =	vld [tilespmem:s8+$0x8180]  }
0x157: {  	v13 =	vld [tilespmem:s8+$0x8200]  }
0x158: {  	v14 =	vld [tilespmem:s8+$0x8280]  }
0x159: {  	v55 =	vld [tilespmem:s8+$0x9280]  }
0x15a: {  	v56 =	vld [tilespmem:s8+$0xA180]  }
0x15b: {  	v3 =	vadd.f32 v4, v3;
	v4 =	vadd.f32 v6, v5;
	v5 =	vld [tilespmem:s8+$0x8300]  }
0x15c: {  	v6 =	vadd.f32 v8, v7;
	v7 =	vadd.f32 v10, v9;
	v8 =	vld [tilespmem:s8+$0x8380]  }
0x15d: {  	v9 =	vld [tilespmem:s8+$0x8400]  }
0x15e: {  	v3 =	vadd.f32 v4, v3;
	v4 =	vadd.f32 v7, v6;
	v6 =	vld [tilespmem:s8+$0x8480]  }
0x15f: {  	v10 =	vld [tilespmem:s8+$0x9200]  }
0x160: {  	v7 =	vld [tilespmem:s8+$0x9100];
	v3 =	vadd.f32 v4, v3  }
0x161: {  	v4 =	vld [tilespmem:s8+$0x9180];
	v5 =	vadd.f32 v8, v5  }
0x162: {  	v8 =	vld [tilespmem:s8+$0x9300];
	[tilespmem:s8+$0x11480] =	vst v3;
	v3 =	vadd.f32 v12, v11;
	v11 =	vadd.f32 v14, v13  }
0x163: {  	v6 =	vadd.f32 v6, v9;
	v9 =	vld [tilespmem:s8+$0x9380]  }
0x164: {  	v3 =	vadd.f32 v11, v3;
	v11 =	vld [tilespmem:s8+$0x9480]  }
0x165: {  	v5 =	vadd.f32 v6, v5;
	v6 =	vld [tilespmem:s8+$0x9400]  }
0x166: {  	v4 =	vadd.f32 v4, v7;
	v7 =	vadd.f32 v55, v10;
	v10 =	vld [tilespmem:s8+$0xA280]  }
0x167: {  	v3 =	vadd.f32 v5, v3;
	v5 =	vld [tilespmem:s8+$0xA100]  }
0x168: {  	v4 =	vadd.f32 v7, v4;
	v7 =	vld [tilespmem:s8+$0xA400]  }
0x169: {  	v8 =	vadd.f32 v9, v8;
	v9 =	vld [tilespmem:s8+$0xA300]  }
0x16a: {  	[tilespmem:s8+$0x11100] =	vst v3;
	v3 =	vld [tilespmem:s8+$0xA200];
	v6 =	vadd.f32 v11, v6  }
0x16b: {  	v11 =	vld [tilespmem:s8+$0xA380]  }
0x16c: {  	v6 =	vadd.f32 v6, v8;
	v8 =	vld [tilespmem:s8+$0xA480]  }
0x16d: {  	v57 =	vld [tilespmem:s8+$0xB180]  }
0x16e: {  	v4 =	vadd.f32 v6, v4;
	v6 =	vld [tilespmem:s8+$0xB100]  }
0x16f: {  	v3 =	vadd.f32 v10, v3;
	v10 =	vld [tilespmem:s8+$0xB280]  }
0x170: {  	v9 =	vadd.f32 v11, v9;
	v11 =	vld [tilespmem:s8+$0xB380]  }
0x171: {  	v5 =	vadd.f32 v56, v5;
	[tilespmem:s8+$0x11180] =	vst v4;
	v4 =	vld [tilespmem:s8+$0xB200];
	v7 =	vadd.f32 v8, v7  }
0x172: {  	v8 =	vld [tilespmem:s8+$0xB300]  }
0x173: {  	v3 =	vadd.f32 v3, v5;
	v5 =	vadd.f32 v7, v9;
	v7 =	vld [tilespmem:s8+$0xB400]  }
0x174: {  	v9 =	vld [tilespmem:s8+$0xB480]  }
0x175: {  	v58 =	vld [tilespmem:s8+$0xC180]  }
0x176: {  	v3 =	vadd.f32 v5, v3;
	v5 =	vld [tilespmem:s8+$0xC100]  }
0x177: {  	v4 =	vadd.f32 v10, v4;
	v10 =	vld [tilespmem:s8+$0xC280]  }
0x178: {  	v8 =	vadd.f32 v11, v8;
	v11 =	vld [tilespmem:s8+$0xC380]  }
0x179: {  	v6 =	vadd.f32 v57, v6;
	[tilespmem:s8+$0x11200] =	vst v3;
	v3 =	vld [tilespmem:s8+$0xC200];
	v7 =	vadd.f32 v9, v7  }
0x17a: {  	v9 =	vld [tilespmem:s8+$0xC300]  }
0x17b: {  	v4 =	vadd.f32 v4, v6;
	v6 =	vadd.f32 v7, v8;
	v7 =	vld [tilespmem:s8+$0xC400]  }
0x17c: {  	v8 =	vld [tilespmem:s8+$0xC480]  }
0x17d: {  	v59 =	vld [tilespmem:s8+$0xD180]  }
0x17e: {  	v4 =	vadd.f32 v6, v4;
	v6 =	vld [tilespmem:s8+$0xD100]  }
0x17f: {  	v3 =	vadd.f32 v10, v3;
	v10 =	vld [tilespmem:s8+$0xD280]  }
0x180: {  	v9 =	vadd.f32 v11, v9;
	v11 =	vld [tilespmem:s8+$0xD380]  }
0x181: {  	v5 =	vadd.f32 v58, v5;
	[tilespmem:s8+$0x11280] =	vst v4;
	v4 =	vld [tilespmem:s8+$0xD200];
	v7 =	vadd.f32 v8, v7  }
0x182: {  	v8 =	vld [tilespmem:s8+$0xD300]  }
0x183: {  	v3 =	vadd.f32 v3, v5;
	v5 =	vadd.f32 v7, v9;
	v7 =	vld [tilespmem:s8+$0xD400]  }
0x184: {  	v9 =	vld [tilespmem:s8+$0xD480]  }
0x185: {  	v60 =	vld [tilespmem:s8+$0xE100]  }
0x186: {  	v61 =	vld [tilespmem:s8+$0xE180]  }
0x187: {  	v15 =	vld [tilespmem:s8+$0xE200];
	v3 =	vadd.f32 v5, v3  }
0x188: {  	v16 =	vld [tilespmem:s8+$0xE280];
	v4 =	vadd.f32 v10, v4;
	v5 =	vadd.f32 v11, v8  }
0x189: {  	v62 =	vld [tilespmem:s8+$0xE480];
	[tilespmem:s8+$0x11300] =	vst v3;
	v3 =	vadd.f32 v59, v6;
	v7 =	vadd.f32 v9, v7  }
0x18a: {  	s17 =	simm.s32 $0x10;
	s12 =	simm.s32 $0x80;
	v8 =	vld [tilespmem:s8+$0xE380]  }
0x18b: {  	s7 =	sand.u32 $0x70, s17;
	s13 =	sand.u32 $0xC00, s12;
	v11 =	vld [tilespmem:s8+$0xE400];
	v4 =	vadd.f32 v4, v3;
	v5 =	vadd.f32 v7, v5  }
0x18c: {  	s13 =	sor.u32 s7, s13;
	v6 =	vld [tilespmem:s8+$0xE300]  }
0x18d: {  	v3 =	vld [tilespmem:s13+$0xF100];
	v7 =	vadd.f32 v5, v4  }
0x18e: {  	v4 =	vld [tilespmem:s13+$0xF180]  }
0x18f: {  	v5 =	vld [tilespmem:s13+$0xF200];
	[tilespmem:s8+$0x11380] =	vst v7  }
0x190: {  	v63 =	vadd.f32 v16, v15;
	v9 =	vadd.f32 v61, v60;
	v7 =	vld [tilespmem:s13+$0xF280]  }
0x191: {  	v11 =	vadd.f32 v62, v11;
	v10 =	vadd.f32 v8, v6;
	v6 =	vld [tilespmem:s13+$0xF300]  }
0x192: {  	s7 =	simm.s32 $0x20;
	v9 =	vadd.f32 v63, v9;
	v8 =	vld [tilespmem:s13+$0xF380]  }
.LBB2_11:
0x193: {  	p0 =	sne.s32 s7, $0x1F0;
	v12 =	vld [tilespmem:s13+$0xF400];
	v10 =	vadd.f32 v11, v10  }
0x194: {  	v11 =	vld [tilespmem:s13+$0xF480]  }
0x195: {  	v13 =	vld [tilespmem:s13+$0x8100];
	v9 =	vadd.f32 v10, v9  }
0x196: {  	v10 =	vld [tilespmem:s13+$0x8180]  }
0x197: {  	v14 =	vld [tilespmem:s13+$0x8200];
	[tilespmem:s8+$0x11400] =	vst v9;
	s8 =	smov.u32 s13  }
0x198: {  	v3 =	vadd.f32 v4, v3;
	v4 =	vadd.f32 v7, v5;
	v9 =	vld [tilespmem:s8+$0x8280]  }
0x199: {  	v6 =	vadd.f32 v8, v6;
	v5 =	vld [tilespmem:s8+$0x8300];
	v7 =	vadd.f32 v11, v12  }
0x19a: {  	v8 =	vld [tilespmem:s8+$0x8380]  }
0x19b: {  	v3 =	vadd.f32 v4, v3;
	v11 =	vld [tilespmem:s8+$0x8400];
	v4 =	vadd.f32 v7, v6  }
0x19c: {  	v7 =	vadd.f32 v10, v13;
	v6 =	vld [tilespmem:s8+$0x8480]  }
0x19d: {  	v9 =	vadd.f32 v9, v14;
	v10 =	vld [tilespmem:s8+$0x9100];
	v3 =	vadd.f32 v4, v3  }
0x19e: {  	v4 =	vld [tilespmem:s8+$0x9180]  }
0x19f: {  	v5 =	vadd.f32 v8, v5;
	v7 =	vadd.f32 v9, v7;
	v8 =	vld [tilespmem:s8+$0x9200];
	[tilespmem:s8+$0x11480] =	vst v3  }
0x1a0: {  	v3 =	vld [tilespmem:s8+$0x9280]  }
0x1a1: {  	v6 =	vadd.f32 v6, v11;
	v9 =	vld [tilespmem:s8+$0x9300]  }
0x1a2: {  	v11 =	vld [tilespmem:s8+$0x9380]  }
0x1a3: {  	v5 =	vadd.f32 v6, v5;
	v6 =	vld [tilespmem:s8+$0x9400];
	v4 =	vadd.f32 v4, v10  }
0x1a4: {  	v10 =	vld [tilespmem:s8+$0x9480]  }
0x1a5: {  	v5 =	vadd.f32 v5, v7;
	v3 =	vadd.f32 v3, v8;
	v7 =	vld [tilespmem:s8+$0xA100]  }
0x1a6: {  	v8 =	vld [tilespmem:s8+$0xA180]  }
0x1a7: {  	[tilespmem:s8+$0x11100] =	vst v5;
	v5 =	vadd.f32 v11, v9;
	v3 =	vadd.f32 v3, v4;
	v4 =	vld [tilespmem:s8+$0xA200]  }
0x1a8: {  	v9 =	vld [tilespmem:s8+$0xA280]  }
0x1a9: {  	v6 =	vadd.f32 v10, v6;
	v10 =	vld [tilespmem:s8+$0xA300]  }
0x1aa: {  	v11 =	vld [tilespmem:s8+$0xA380]  }
0x1ab: {  	v5 =	vadd.f32 v6, v5;
	v6 =	vld [tilespmem:s8+$0xA400];
	v7 =	vadd.f32 v8, v7  }
0x1ac: {  	v8 =	vld [tilespmem:s8+$0xA480]  }
0x1ad: {  	v3 =	vadd.f32 v5, v3;
	v4 =	vadd.f32 v9, v4;
	v5 =	vld [tilespmem:s8+$0xB100]  }
0x1ae: {  	v9 =	vld [tilespmem:s8+$0xB180]  }
0x1af: {  	[tilespmem:s8+$0x11180] =	vst v3;
	v3 =	vadd.f32 v11, v10;
	v4 =	vadd.f32 v4, v7;
	v7 =	vld [tilespmem:s8+$0xB200]  }
0x1b0: {  	v10 =	vld [tilespmem:s8+$0xB280]  }
0x1b1: {  	v6 =	vadd.f32 v8, v6;
	v8 =	vld [tilespmem:s8+$0xB300]  }
0x1b2: {  	v11 =	vld [tilespmem:s8+$0xB380]  }
0x1b3: {  	v3 =	vadd.f32 v6, v3;
	v6 =	vld [tilespmem:s8+$0xB400];
	v5 =	vadd.f32 v9, v5  }
0x1b4: {  	v9 =	vld [tilespmem:s8+$0xB480]  }
0x1b5: {  	v3 =	vadd.f32 v3, v4;
	v4 =	vadd.f32 v10, v7;
	v7 =	vld [tilespmem:s8+$0xC100]  }
0x1b6: {  	v10 =	vld [tilespmem:s8+$0xC180]  }
0x1b7: {  	[tilespmem:s8+$0x11200] =	vst v3;
	v3 =	vadd.f32 v11, v8;
	v4 =	vadd.f32 v4, v5;
	v5 =	vld [tilespmem:s8+$0xC200]  }
0x1b8: {  	v8 =	vld [tilespmem:s8+$0xC280]  }
0x1b9: {  	v6 =	vadd.f32 v9, v6;
	v9 =	vld [tilespmem:s8+$0xC300]  }
0x1ba: {  	v11 =	vld [tilespmem:s8+$0xC380]  }
0x1bb: {  	v3 =	vadd.f32 v6, v3;
	v6 =	vld [tilespmem:s8+$0xC400];
	v7 =	vadd.f32 v10, v7  }
0x1bc: {  	v10 =	vld [tilespmem:s8+$0xC480]  }
0x1bd: {  	v3 =	vadd.f32 v3, v4;
	v4 =	vadd.f32 v8, v5;
	v5 =	vld [tilespmem:s8+$0xD100]  }
0x1be: {  	v8 =	vld [tilespmem:s8+$0xD180]  }
0x1bf: {  	[tilespmem:s8+$0x11280] =	vst v3;
	v3 =	vadd.f32 v11, v9;
	v4 =	vadd.f32 v4, v7;
	v7 =	vld [tilespmem:s8+$0xD200]  }
0x1c0: {  	v9 =	vld [tilespmem:s8+$0xD280]  }
0x1c1: {  	v6 =	vadd.f32 v10, v6;
	v10 =	vld [tilespmem:s8+$0xD300]  }
0x1c2: {  	v11 =	vld [tilespmem:s8+$0xD380]  }
0x1c3: {  	v3 =	vadd.f32 v6, v3;
	v6 =	vld [tilespmem:s8+$0xD400];
	v5 =	vadd.f32 v8, v5  }
0x1c4: {  	v8 =	vld [tilespmem:s8+$0xD480]  }
0x1c5: {  	v3 =	vadd.f32 v3, v4;
	v4 =	vadd.f32 v9, v7;
	v7 =	vld [tilespmem:s8+$0xE100]  }
0x1c6: {  	v9 =	vld [tilespmem:s8+$0xE180]  }
0x1c7: {  	[tilespmem:s8+$0x11300] =	vst v3;
	v3 =	vadd.f32 v11, v10;
	v4 =	vadd.f32 v4, v5;
	v5 =	vld [tilespmem:s8+$0xE200]  }
0x1c8: {  	v10 =	vld [tilespmem:s8+$0xE280]  }
0x1c9: {  	v6 =	vadd.f32 v8, v6;
	v8 =	vld [tilespmem:s8+$0xE300]  }
0x1ca: {  	s12 =	sadd.s32 $0x80, s12;
	v11 =	vld [tilespmem:s8+$0xE380]  }
0x1cb: {  	s15 =	sand.u32 $0xC00, s12;
	s13 =	sand.u32 $0x70, s7;
	v6 =	vadd.f32 v6, v3;
	v12 =	vld [tilespmem:s8+$0xE400];
	v7 =	vadd.f32 v9, v7  }
0x1cc: {  	s13 =	sor.u32 s13, s15;
	v13 =	vld [tilespmem:s8+$0xE480]  }
0x1cd: {  	v3 =	vld [tilespmem:s13+$0xF100];
	v6 =	vadd.f32 v6, v4;
	v9 =	vadd.f32 v10, v5  }
.Ltmp5:
0x1ce: {  	v4 =	vld [tilespmem:s13+$0xF180];
	(pc) =	sbr.rel @p0 .LBB2_11-.Ltmp5, $4  }
0x1cf: {  	v5 =	vld [tilespmem:s13+$0xF200];
	[tilespmem:s8+$0x11380] =	vst v6;
	v10 =	vadd.f32 v11, v8;
	v9 =	vadd.f32 v9, v7  }
0x1d0: {  	v7 =	vld [tilespmem:s13+$0xF280]  }
0x1d1: {  	v6 =	vld [tilespmem:s13+$0xF300];
	v11 =	vadd.f32 v13, v12  }
0x1d2: {  	s7 =	sadd.s32 $0x10, s7;
	v8 =	vld [tilespmem:s13+$0xF380]  }
0x1d3: {  	v12 =	vld [tilespmem:s13+$0xF400];
	v10 =	vadd.f32 v11, v10  }
0x1d4: {  	v54 =	vld [tilespmem:s13+$0xF480]  }
0x1d5: {  	v13 =	vld [tilespmem:s13+$0x8100];
	v9 =	vadd.f32 v10, v9  }
0x1d6: {  	v55 =	vld [tilespmem:s13+$0x8180]  }
0x1d7: {  	v14 =	vld [tilespmem:s13+$0x8200];
	[tilespmem:s8+$0x11400] =	vst v9  }
0x1d8: {  	v9 =	vld [tilespmem:s13+$0x8280]  }
0x1d9: {  	v57 =	vld [tilespmem:s13+$0x8300]  }
0x1da: {  	v59 =	vld [tilespmem:s13+$0x8380]  }
0x1db: {  	v60 =	vld [tilespmem:s13+$0x8400]  }
0x1dc: {  	v62 =	vld [tilespmem:s13+$0x8480]  }
0x1dd: {  	v63 =	vld [tilespmem:s13+$0x9100]  }
0x1de: {  	v16 =	vld [tilespmem:s13+$0x9180]  }
0x1df: {  	v17 =	vld [tilespmem:s13+$0x9200]  }
0x1e0: {  	v18 =	vld [tilespmem:s13+$0x9280]  }
0x1e1: {  	v19 =	vld [tilespmem:s13+$0x9300]  }
0x1e2: {  	v20 =	vld [tilespmem:s13+$0x9380]  }
0x1e3: {  	v21 =	vld [tilespmem:s13+$0x9400]  }
0x1e4: {  	v22 =	vld [tilespmem:s13+$0x9480]  }
0x1e5: {  	v23 =	vld [tilespmem:s13+$0xA100]  }
0x1e6: {  	v24 =	vld [tilespmem:s13+$0xA180]  }
0x1e7: {  	v26 =	vld [tilespmem:s13+$0xA280]  }
0x1e8: {  	v27 =	vld [tilespmem:s13+$0xA300]  }
0x1e9: {  	v3 =	vadd.f32 v4, v3;
	v56 =	vadd.f32 v7, v5;
	v28 =	vld [tilespmem:s13+$0xA380]  }
0x1ea: {  	v6 =	vadd.f32 v8, v6;
	v58 =	vadd.f32 v54, v12;
	v29 =	vld [tilespmem:s13+$0xA400]  }
0x1eb: {  	v30 =	vld [tilespmem:s13+$0xA480]  }
0x1ec: {  	v3 =	vadd.f32 v56, v3;
	v31 =	vld [tilespmem:s13+$0xB100];
	v61 =	vadd.f32 v58, v6  }
0x1ed: {  	v32 =	vld [tilespmem:s13+$0xB180]  }
0x1ee: {  	v33 =	vld [tilespmem:s13+$0xB200];
	v3 =	vadd.f32 v61, v3  }
0x1ef: {  	v34 =	vld [tilespmem:s13+$0xB280];
	v9 =	vadd.f32 v9, v14;
	v5 =	vadd.f32 v59, v57  }
0x1f0: {  	v35 =	vld [tilespmem:s13+$0xB300];
	v6 =	vadd.f32 v62, v60;
	[tilespmem:s13+$0x11480] =	vst v3;
	v3 =	vadd.f32 v55, v13  }
0x1f1: {  	v36 =	vld [tilespmem:s13+$0xB380]  }
0x1f2: {  	v38 =	vld [tilespmem:s13+$0xB400];
	v5 =	vadd.f32 v6, v5;
	v3 =	vadd.f32 v9, v3  }
0x1f3: {  	v39 =	vld [tilespmem:s13+$0xB480]  }
0x1f4: {  	v40 =	vld [tilespmem:s13+$0xC100];
	v3 =	vadd.f32 v5, v3  }
0x1f5: {  	v41 =	vld [tilespmem:s13+$0xC180]  }
0x1f6: {  	[tilespmem:s13+$0x11100] =	vst v3;
	v3 =	vld [tilespmem:s13+$0xA200]  }
0x1f7: {  	v42 =	vld [tilespmem:s13+$0xC280]  }
0x1f8: {  	v43 =	vld [tilespmem:s13+$0xC300]  }
0x1f9: {  	v44 =	vld [tilespmem:s13+$0xC380]  }
0x1fa: {  	v46 =	vld [tilespmem:s13+$0xC400];
	v7 =	vadd.f32 v30, v29;
	v9 =	vadd.f32 v28, v27  }
0x1fb: {  	v47 =	vld [tilespmem:s13+$0xC480];
	v5 =	vadd.f32 v24, v23;
	v3 =	vadd.f32 v26, v3  }
0x1fc: {  	v48 =	vld [tilespmem:s13+$0xD100]  }
0x1fd: {  	v49 =	vld [tilespmem:s13+$0xD180];
	v37 =	vadd.f32 v7, v9;
	v3 =	vadd.f32 v3, v5  }
0x1fe: {  	v50 =	vld [tilespmem:s13+$0xD200]  }
0x1ff: {  	v51 =	vld [tilespmem:s13+$0xD280];
	v3 =	vadd.f32 v37, v3  }
0x200: {  	v52 =	vld [tilespmem:s13+$0xD300];
	v8 =	vadd.f32 v20, v19;
	v6 =	vadd.f32 v22, v21  }
0x201: {  	v4 =	vadd.f32 v16, v63;
	[tilespmem:s13+$0x11200] =	vst v3;
	v3 =	vld [tilespmem:s13+$0xC200]  }
0x202: {  	v53 =	vld [tilespmem:s13+$0xD380];
	v25 =	vadd.f32 v18, v17;
	v6 =	vadd.f32 v6, v8  }
0x203: {  	v56 =	vld [tilespmem:s13+$0xD480];
	v8 =	vadd.f32 v36, v35;
	v7 =	vadd.f32 v39, v38  }
0x204: {  	v15 =	vld [tilespmem:s13+$0xE300];
	v4 =	vadd.f32 v25, v4;
	v9 =	vadd.f32 v44, v43  }
0x205: {  	v58 =	vld [tilespmem:s13+$0xE180];
	v45 =	vadd.f32 v7, v8;
	v7 =	vadd.f32 v47, v46  }
0x206: {  	v57 =	vld [tilespmem:s13+$0xE100];
	v5 =	vadd.f32 v41, v40;
	v3 =	vadd.f32 v42, v3  }
0x207: {  	v16 =	vld [tilespmem:s13+$0xE380];
	v4 =	vadd.f32 v6, v4  }
0x208: {  	v17 =	vld [tilespmem:s13+$0xE400];
	v54 =	vadd.f32 v7, v9;
	v3 =	vadd.f32 v3, v5  }
0x209: {  	v18 =	vld [tilespmem:s13+$0xE480];
	v6 =	vadd.f32 v32, v31  }
0x20a: {  	v55 =	vld [tilespmem:s13+$0xD400];
	[tilespmem:s13+$0x11180] =	vst v4;
	v4 =	vadd.f32 v34, v33;
	v3 =	vadd.f32 v54, v3  }
0x20b: {  	v59 =	vld [tilespmem:s13+$0xE280]  }
0x20c: {  	v4 =	vadd.f32 v4, v6;
	[tilespmem:s13+$0x11300] =	vst v3;
	v3 =	vld [tilespmem:s13+$0xE200]  }
0x20d: {  	v60 =	vadd.f32 v16, v15  }
0x20e: {  	v61 =	vadd.f32 v18, v17;
	v4 =	vadd.f32 v45, v4  }
0x20f: {  	v8 =	vadd.f32 v53, v52;
	v7 =	vadd.f32 v56, v55  }
0x210: {  	v6 =	vadd.f32 v49, v48;
	[tilespmem:s13+$0x11280] =	vst v4;
	v4 =	vadd.f32 v51, v50  }
0x211: {  	v5 =	vadd.f32 v58, v57;
	v3 =	vadd.f32 v59, v3  }
0x212: {  	s11 =	sadd.s32 $0x1, s11;
	v62 =	vadd.f32 v7, v8;
	v4 =	vadd.f32 v4, v6  }
0x213: {  	p0 =	sne.s32 s11, $0x28;
	v63 =	vadd.f32 v61, v60;
	v3 =	vadd.f32 v3, v5  }
.Ltmp6:
0x214: {  	v4 =	vadd.f32 v62, v4;
	(pc) =	sbr.rel @p0 .LBB2_2-.Ltmp6, $4  }
0x215: {  	v3 =	vadd.f32 v63, v3  }
0x216: {  	s2 =	sshll.u32 s2, $0x9;
	[tilespmem:s13+$0x11380] =	vst v4  }
0x217: {  	s2 =	sadd.s32 s6, s2;
	[tilespmem:s13+$0x11400] =	vst v3  }
0x218: {  	[hbm4b:s2+s4] =	stream.linear.scatter [tilespmem:s30], [sflag:$0x6], $0x1000, $0x38;
	[tilespmem:$0x12100] =	vst v63  }
0x219: {  	_ =	swait.ge [sflag:s31], $0x1000  }
0x21a: {  	[sflag:s31] =	ssyncset.done $0x0  }
0x21b: {  	s7 =	simm.s32 $0x6;
	[sflag:s31] =	ssyncadd.s32 $0xFFFFF000  }
0x21c: {  	_ =	swait.ge [sflag:s7], $0x1000  }
0x21d: {  	s8 =	rddreg [dreg:$0x8]  }
0x21e: {  	s2 =	rddreg [dreg:$0x7];
	s8 =	sadd.s32 $0x1, s8  }
0x21f: {  	p0 =	sne.s32 s8, s2  }
.Ltmp7:
0x220: {  	_ = 	snop;
	(pc) =	sbr.rel @p0 .LBB2_1-.Ltmp7, $3  }
0x221: {  	_ =	sdelay $0x1  }
0x222: {  	[sflag:s7] =	ssyncset.done $0x0  }
0x223: {  	[sflag:s7] =	ssyncadd.s32 $0xFFFFF000  }
0x224: {  	_ =	sfence.sel $0x180000  }
0x225: {  	[bflag:$0x0] =	sbarrier.arrive $0xFFFF  }
0x226: {  	_ =	strace $0x90000047  }
0x227: {  	s0 =	stileid.u32;
	[bflag:$0x2] =	sbarrier.arrive $0xFFFF  }
0x228: {  	p0 =	sne.s32 s0, $0x0;
	s0 =	rddreg [dreg:$0x3]  }
0x229: {  	s0 =	sadd.s32 @!p0 $0x100000, s0  }
0x22a: {  	[sflag:s0] =	ssyncadd.tile.s32 @!p0 $0x1;
	_ =	shalt  }
.Lfunc_end2:
_tile_overlayer_lowered:
.L_overlay_start_2:
0x22b: {  	(tag) =	ssettag $0x2  }
0x22c: {  	s0 =	rddreg [dreg:$0x0];
	s2 =	stileid.u32  }
0x22d: {  	s1 =	rddreg [dreg:$0x1];
	p0 =	sne.s32 s2, $0x0  }
0x22e: {  	s3 =	rddreg [dreg:$0x2];
	[bflag:$0x3] =	sbarrier.arrive $0xFFFF;
	s2 =	simm.s32 @!p0 $0x1C07  }
0x22f: {  	[timem:s3], [sflag:s2] =	dma.local @!p0 [hbm:s0], s1  }
0x230: {  	s0 =	simm.s32 @!p0 $0x7  }
0x231: {  	_ =	swait.ge @!p0 [sflag:s0], s1  }
0x232: {  	s1 =	ssub.s32 @!p0 $0x0, s1;
	[sflag:s0] =	ssyncset.done @!p0 $0x0  }
0x233: {  	[sflag:s0] =	ssyncadd.s32 @!p0 s1  }
0x234: {  	[bflag:$0x3] =	sbarrier.arrive $0xFFFF  }
0x235: {  	_ =	shalt  }

</sc_bundles>
